<compile_context>
chip_gen: v7x
topology: tpu7x:2x2x1
jax: 0.10.2.dev20260603
libtpu: 0.0.44.dev20260713+nightly
codegen_flags: <defaults>
</compile_context>

<pallas_src>
import functools

import jax
import jax.numpy as jnp
from jax import lax
from jax.experimental import pallas as pl
from jax.experimental.pallas import tpu as pltpu
from jax.experimental.pallas import tpu_sc as plsc

VOCAB = 100000
F_DIM = 64
HIST = 50
MU = 3.5
NORM = float(HIST) ** (-0.5)
NCHUNK = F_DIM // 16
NTILE = 16
KMAX = (HIST + NTILE - 1) // NTILE


def _base_lane(idx):
    return pl.multiple_of((idx >> 7) << 7, 128), idx & 127


NROW = NTILE + 3


def _svdpp_body(user_hbm, item_hbm, imp_hbm, ub_hbm, ib_hbm, P_hbm, Q_hbm,
                Y_hbm, out_hbm, xch_hbm, user_v, item_v, imp_v, bu_v, bi_v,
                pu_v, qi_v, rows_v, part_v, bvec_v, fin_v, res_v,
                sem0, sem1, sem2, sem3):
    cid = lax.axis_index("c")
    sid = lax.axis_index("s")

    @pl.when(cid == 0)
    def _():
        iota = lax.iota(jnp.int32, 16)

        def col_chunks(ref3, slot, lane):
            slots = jnp.full((16,), slot, jnp.int32)
            lanes = jnp.full((16,), lane, jnp.int32)
            return [
                plsc.load_gather(ref3, [slots, iota + (c * 16), lanes])
                for c in range(NCHUNK)
            ]

        c0 = pltpu.async_copy(user_hbm, user_v.at[pl.ds(0, 1)], sem0)
        c1 = pltpu.async_copy(item_hbm, item_v.at[pl.ds(0, 1)], sem1)
        c2 = pltpu.async_copy(imp_hbm, imp_v.at[pl.ds(0, HIST)], sem2)
        c2.wait()

        valids, lanes_k = [], []
        ycopies = []
        for k in range(KMAX):
            j = sid + (k * NTILE)
            valid = j < HIST
            ivec = plsc.load_gather(
                imp_v, [jnp.full((16,), jnp.where(valid, j, 0), jnp.int32)])
            idx = jnp.where(valid, ivec[0], 0)
            base, lane = _base_lane(idx)
            valids.append(valid)
            lanes_k.append(lane)
            ycopies.append(pltpu.async_copy(
                Y_hbm.at[:, pl.ds(base, 128)], rows_v.at[k], sem3))

        c0.wait()
        c1.wait()

        @pl.when(sid == 2)
        def _():
            u = user_v[...][0]
            base, lane = _base_lane(u)
            gP = pltpu.async_copy(P_hbm.at[:, pl.ds(base, 128)],
                                  pu_v.at[0], sem0)
            gb = pltpu.async_copy(ub_hbm.at[:, pl.ds(base, 128)], bu_v, sem1)
            gP.wait()
            gb.wait()
            pc = col_chunks(pu_v, 0, lane)
            for c in range(NCHUNK):
                part_v[pl.ds(F_DIM + c * 16, 16)] = pc[c]
            bvec_v[...] = plsc.load_gather(
                bu_v, [jnp.zeros((16,), jnp.int32),
                       jnp.full((16,), lane, jnp.int32)])
            pltpu.sync_copy(part_v.at[pl.ds(F_DIM, F_DIM)],
                            xch_hbm.at[pl.ds(NTILE * F_DIM, F_DIM)])
            pltpu.sync_copy(bvec_v,
                            xch_hbm.at[pl.ds((NTILE + 2) * F_DIM, 16)])

        @pl.when(sid == 3)
        def _():
            it = item_v[...][0]
            base, lane = _base_lane(it)
            gQ = pltpu.async_copy(Q_hbm.at[:, pl.ds(base, 128)],
                                  qi_v.at[0], sem0)
            gb = pltpu.async_copy(ib_hbm.at[:, pl.ds(base, 128)], bi_v, sem1)
            gQ.wait()
            gb.wait()
            qc = col_chunks(qi_v, 0, lane)
            for c in range(NCHUNK):
                part_v[pl.ds(F_DIM + c * 16, 16)] = qc[c]
            bvec_v[...] = plsc.load_gather(
                bi_v, [jnp.zeros((16,), jnp.int32),
                       jnp.full((16,), lane, jnp.int32)])
            pltpu.sync_copy(part_v.at[pl.ds(F_DIM, F_DIM)],
                            xch_hbm.at[pl.ds((NTILE + 1) * F_DIM, F_DIM)])
            pltpu.sync_copy(bvec_v,
                            xch_hbm.at[pl.ds((NTILE + 2) * F_DIM + 16, 16)])

        zero = jnp.zeros((16,), jnp.float32)
        acc = [zero] * NCHUNK
        for k in range(KMAX):
            ycopies[k].wait()
            row = col_chunks(rows_v, k, lanes_k[k])
            for c in range(NCHUNK):
                acc[c] = acc[c] + jnp.where(valids[k], row[c], zero)
        for c in range(NCHUNK):
            part_v[pl.ds(c * 16, 16)] = acc[c]
        pltpu.sync_copy(part_v.at[pl.ds(0, F_DIM)],
                        xch_hbm.at[pl.ds(pl.multiple_of(sid * F_DIM, 8), F_DIM)])

        plsc.subcore_barrier()

        @pl.when(sid == 0)
        def _():
            pltpu.sync_copy(xch_hbm, fin_v)
            total = None
            for c in range(NCHUNK):
                a = fin_v[pl.ds(c * 16, 16)]
                for w in range(1, NTILE):
                    a = a + fin_v[pl.ds(w * F_DIM + c * 16, 16)]
                t = fin_v[pl.ds(NTILE * F_DIM + c * 16, 16)] * (
                    fin_v[pl.ds((NTILE + 1) * F_DIM + c * 16, 16)] + NORM * a)
                total = t if total is None else total + t
            s = total[0]
            for i in range(1, 16):
                s = s + total[i]
            bu = fin_v[pl.ds((NTILE + 2) * F_DIM, 16)][0]
            bi = fin_v[pl.ds((NTILE + 2) * F_DIM + 16, 16)][0]
            r = MU + bu + bi + s
            res_v[...] = jnp.full((16,), r, jnp.float32)
            pltpu.sync_copy(res_v.at[pl.ds(0, 1)], out_hbm)


_svdpp = functools.partial(
    pl.kernel,
    out_type=(jax.ShapeDtypeStruct((1,), jnp.float32),
              jax.ShapeDtypeStruct((NROW * F_DIM,), jnp.float32)),
    mesh=plsc.VectorSubcoreMesh(core_axis_name="c", subcore_axis_name="s"),
    compiler_params=pltpu.CompilerParams(
        needs_layout_passes=False, disable_bounds_checks=True),
    scratch_types=[
        pltpu.VMEM((16,), jnp.int32),
        pltpu.VMEM((16,), jnp.int32),
        pltpu.VMEM((64,), jnp.int32),
        pltpu.VMEM((1, 128), jnp.float32),
        pltpu.VMEM((1, 128), jnp.float32),
        pltpu.VMEM((1, F_DIM, 128), jnp.float32),
        pltpu.VMEM((1, F_DIM, 128), jnp.float32),
        pltpu.VMEM((KMAX, F_DIM, 128), jnp.float32),
        pltpu.VMEM((2 * F_DIM,), jnp.float32),
        pltpu.VMEM((16,), jnp.float32),
        pltpu.VMEM((NROW * F_DIM,), jnp.float32),
        pltpu.VMEM((16,), jnp.float32),
        pltpu.SemaphoreType.DMA,
        pltpu.SemaphoreType.DMA,
        pltpu.SemaphoreType.DMA,
        pltpu.SemaphoreType.DMA,
    ],
)(_svdpp_body)


def kernel(user, item, implicit_items, user_biases, item_biases, P, Q, Y):
    out, _ = _svdpp(
        user.astype(jnp.int32),
        item.astype(jnp.int32),
        implicit_items.astype(jnp.int32),
        user_biases.T,
        item_biases.T,
        P.T,
        Q.T,
        Y.T,
    )
    return out

# --- scband reference (transcript-rebuilt; emitter-appended) ---
"""Pipeline reference for scband-svdplus-plus-84361747628058 (READ-ONLY COPY).

The authoritative reference and input builder live on the scoring server;
editing this copy changes nothing except your own understanding.
"""

import jax, jax.numpy as jnp
import numpy as np

NUM_USERS = 100000
NUM_ITEMS = 100000
F_DIM = 64
MU = 3.5
HIST = 50


def setup_inputs(seed: int = 0) -> dict:
    key = jax.random.key(seed)
    ks = jax.random.split(key, 8)
    return {
        "user": jax.random.randint(ks[0], (1,), 0, NUM_USERS, dtype=jnp.int64 if jax.config.jax_enable_x64 else jnp.int32),
        "item": jax.random.randint(ks[1], (1,), 0, NUM_ITEMS, dtype=jnp.int64 if jax.config.jax_enable_x64 else jnp.int32),
        "implicit_items": jax.random.randint(ks[2], (HIST,), 0, NUM_ITEMS, dtype=jnp.int64 if jax.config.jax_enable_x64 else jnp.int32),
        "user_biases": jax.random.normal(ks[3], (NUM_USERS, 1), dtype=jnp.float32),
        "item_biases": jax.random.normal(ks[4], (NUM_ITEMS, 1), dtype=jnp.float32),
        "P": jax.random.normal(ks[5], (NUM_USERS, F_DIM), dtype=jnp.float32) * (1.0 / F_DIM),
        "Q": jax.random.normal(ks[6], (NUM_ITEMS, F_DIM), dtype=jnp.float32) * (1.0 / F_DIM),
        "Y": jax.random.normal(ks[7], (NUM_ITEMS, F_DIM), dtype=jnp.float32) * (1.0 / F_DIM),
    }


def reference(user, item, implicit_items, user_biases, item_biases, P, Q, Y):
    # BaselineEstimates: bui = mu + squeeze(bu) + squeeze(bi)
    bu = jnp.take(user_biases, user, axis=0)  # [1, 1]
    bi = jnp.take(item_biases, item, axis=0)  # [1, 1]
    bui = MU + jnp.squeeze(bu) + jnp.squeeze(bi)  # scalar
    # latent factors
    P_u = jnp.take(P, user, axis=0)  # [1, F]
    Q_i = jnp.take(Q, item, axis=0)  # [1, F]
    # sum of implicit feedback offsets: sum_j Y[j] for j in implicit_data[user]
    imp = jnp.take(Y, implicit_items, axis=0)  # [HIST, F]
    sum_of_implicit_offset = jnp.sum(imp, axis=0, keepdims=True)  # [1, F]
    norm = float(HIST) ** (-0.5)
    rui = bui + jnp.sum(P_u * (Q_i + norm * sum_of_implicit_offset), axis=1)  # [1]
    return rui

if __name__ == "__main__":
    import jax
    _d = setup_inputs()
    print(jax.jit(kernel)(*tuple(_d.values())))

</pallas_src>

<mosaic_0001>
#map = affine_map<(d0, d1) -> (0)>
#map1 = affine_map<(d0, d1) -> (0, 0)>
module attributes {stable_mosaic.version = 14 : i64} {
  func.func @_svdpp_body(%arg0: i32, %arg1: i32, %arg2: memref<1xi32, #tpu.memory_space<hbm>>, %arg3: memref<1xi32, #tpu.memory_space<hbm>>, %arg4: memref<50xi32, #tpu.memory_space<hbm>>, %arg5: memref<1x100000xf32, #tpu.memory_space<hbm>>, %arg6: memref<1x100000xf32, #tpu.memory_space<hbm>>, %arg7: memref<64x100000xf32, #tpu.memory_space<hbm>>, %arg8: memref<64x100000xf32, #tpu.memory_space<hbm>>, %arg9: memref<64x100000xf32, #tpu.memory_space<hbm>>, %arg10: memref<1xf32, #tpu.memory_space<hbm>>, %arg11: memref<1216xf32, #tpu.memory_space<hbm>>, %arg12: memref<16xi32, #tpu.memory_space<vmem>>, %arg13: memref<16xi32, #tpu.memory_space<vmem>>, %arg14: memref<64xi32, #tpu.memory_space<vmem>>, %arg15: memref<1x128xf32, #tpu.memory_space<vmem>>, %arg16: memref<1x128xf32, #tpu.memory_space<vmem>>, %arg17: memref<1x64x128xf32, #tpu.memory_space<vmem>>, %arg18: memref<1x64x128xf32, #tpu.memory_space<vmem>>, %arg19: memref<4x64x128xf32, #tpu.memory_space<vmem>>, %arg20: memref<128xf32, #tpu.memory_space<vmem>>, %arg21: memref<16xf32, #tpu.memory_space<vmem>>, %arg22: memref<1216xf32, #tpu.memory_space<vmem>>, %arg23: memref<16xf32, #tpu.memory_space<vmem>>, %arg24: memref<!tpu.dma_semaphore, #tpu.memory_space<semaphore_mem>>, %arg25: memref<!tpu.dma_semaphore, #tpu.memory_space<semaphore_mem>>, %arg26: memref<!tpu.dma_semaphore, #tpu.memory_space<semaphore_mem>>, %arg27: memref<!tpu.dma_semaphore, #tpu.memory_space<semaphore_mem>>) attributes {dimension_semantics = [#tpu.dimension_semantics<core_parallel>, #tpu.dimension_semantics<subcore_parallel>], iteration_bounds = array<i64: 2, 16>, scalar_prefetch = 0 : i64, scratch_operands = 16 : i64, tpu.core_type = #tpu.core_type<sc_vector_subcore>, window_params = [{transform_indices = #map}, {transform_indices = #map}, {transform_indices = #map}, {transform_indices = #map1}, {transform_indices = #map1}, {transform_indices = #map1}, {transform_indices = #map1}, {transform_indices = #map1}, {transform_indices = #map}, {transform_indices = #map}]} {
    %eq3A = arith.constant 0 : i32
    %eq3A_0 = arith.cmpi eq, %arg0, %eq3A : i32
    %convert_element_type3A = arith.extui %eq3A_0 : i1 to i32
    %cond3A = arith.constant 0 : i32
    %cond3A_1 = arith.cmpi ne, %convert_element_type3A, %cond3A : i32
    scf.if %cond3A_1 {
      %iota3A = tpu.iota {dimensions = array<i32: 0>} : vector<16xi32>
      %dma_start3A = arith.constant 0 : i32
      %dma_start3A_2 = tpu.memref_slice %arg12[%dma_start3A] : memref<16xi32, #tpu.memory_space<vmem>> -> memref<1xi32, #tpu.memory_space<vmem>>
      %dma_start3A_3 = arith.constant 0 : i32
      %dma_start3A_4 = tpu.memref_slice %arg12[%dma_start3A_3] : memref<16xi32, #tpu.memory_space<vmem>> -> memref<1xi32, #tpu.memory_space<vmem>>
      tpu.enqueue_dma source(%arg2 : memref<1xi32, #tpu.memory_space<hbm>>) target(%dma_start3A_4 : memref<1xi32, #tpu.memory_space<vmem>>) target_semaphore(%arg24 : memref<!tpu.dma_semaphore, #tpu.memory_space<semaphore_mem>>)
      %dma_start3A_5 = arith.constant 0 : i32
      %dma_start3A_6 = tpu.memref_slice %arg13[%dma_start3A_5] : memref<16xi32, #tpu.memory_space<vmem>> -> memref<1xi32, #tpu.memory_space<vmem>>
      %dma_start3A_7 = arith.constant 0 : i32
      %dma_start3A_8 = tpu.memref_slice %arg13[%dma_start3A_7] : memref<16xi32, #tpu.memory_space<vmem>> -> memref<1xi32, #tpu.memory_space<vmem>>
      tpu.enqueue_dma source(%arg3 : memref<1xi32, #tpu.memory_space<hbm>>) target(%dma_start3A_8 : memref<1xi32, #tpu.memory_space<vmem>>) target_semaphore(%arg25 : memref<!tpu.dma_semaphore, #tpu.memory_space<semaphore_mem>>)
      %dma_start3A_9 = arith.constant 0 : i32
      %dma_start3A_10 = tpu.memref_slice %arg14[%dma_start3A_9] : memref<64xi32, #tpu.memory_space<vmem>> -> memref<50xi32, #tpu.memory_space<vmem>>
      %dma_start3A_11 = arith.constant 0 : i32
      %dma_start3A_12 = tpu.memref_slice %arg14[%dma_start3A_11] : memref<64xi32, #tpu.memory_space<vmem>> -> memref<50xi32, #tpu.memory_space<vmem>>
      tpu.enqueue_dma source(%arg4 : memref<50xi32, #tpu.memory_space<hbm>>) target(%dma_start3A_12 : memref<50xi32, #tpu.memory_space<vmem>>) target_semaphore(%arg26 : memref<!tpu.dma_semaphore, #tpu.memory_space<semaphore_mem>>)
      %dma_wait3A = arith.constant 0 : i32
      %dma_wait3A_13 = tpu.memref_slice %arg14[%dma_wait3A] : memref<64xi32, #tpu.memory_space<vmem>> -> memref<50xi32, #tpu.memory_space<vmem>>
      %dma_wait3A_14 = arith.constant 0 : i32
      %dma_wait3A_15 = tpu.memref_slice %arg14[%dma_wait3A_14] : memref<64xi32, #tpu.memory_space<vmem>> -> memref<50xi32, #tpu.memory_space<vmem>>
      tpu.wait_dma2 semaphore(%arg26 : memref<!tpu.dma_semaphore, #tpu.memory_space<semaphore_mem>>) src(%arg4 : memref<50xi32, #tpu.memory_space<hbm>>) dst(%dma_wait3A_15 : memref<50xi32, #tpu.memory_space<vmem>>)
      %add3A = arith.constant 0 : i32
      %add3A_16 = arith.addi %arg1, %add3A : i32
      %lt3A = arith.constant 50 : i32
      %lt3A_17 = arith.cmpi slt, %add3A_16, %lt3A : i32
      %jit3A = arith.constant 0 : i32
      %select_n3A = arith.select %lt3A_17, %add3A_16, %jit3A : i32
      %broadcast_in_dim3A = vector.broadcast %select_n3A : i32 to vector<16xi32>
      %gather3A = tpu.vector_load_idx %arg14[%broadcast_in_dim3A] : memref<64xi32, #tpu.memory_space<vmem>>[vector<16xi32>], vector<16xi32>,
      %slice3A = vector.extract_strided_slice %gather3A {offsets = [0], sizes = [1], strides = [1]} : vector<16xi32> to vector<1xi32>
      %squeeze3A = vector.extract %slice3A[0] : i32 from vector<1xi32>
      %jit3A_18 = arith.constant 0 : i32
      %select_n3A_19 = arith.select %lt3A_17, %squeeze3A, %jit3A_18 : i32
      %shift_right_arithmetic3A = arith.constant 7 : i32
      %shift_right_arithmetic3A_20 = arith.shrsi %select_n3A_19, %shift_right_arithmetic3A : i32
      %shift_left3A = arith.constant 7 : i32
      %shift_left3A_21 = arith.shli %shift_right_arithmetic3A_20, %shift_left3A : i32
      %multiple_of3A = tpu.assume_multiple %shift_left3A_21, 128 : i32
      %and3A = arith.constant 127 : i32
      %and3A_22 = arith.andi %select_n3A_19, %and3A : i32
      %dma_start3A_23 = arith.constant 0 : i32
      %dma_start3A_24 = arith.constant 0 : i32
      %dma_start3A_25 = arith.constant 0 : i32
      %dma_start3A_26 = tpu.memref_slice %arg19[%dma_start3A_23, %dma_start3A_24, %dma_start3A_25] : memref<4x64x128xf32, #tpu.memory_space<vmem>> -> memref<1x64x128xf32, #tpu.memory_space<vmem>>
      %dma_start3A_27 = tpu.memref_squeeze %dma_start3A_26 : memref<1x64x128xf32, #tpu.memory_space<vmem>> -> memref<64x128xf32, #tpu.memory_space<vmem>>
      %dma_start3A_28 = arith.constant 0 : i32
      %dma_start3A_29 = tpu.memref_slice %arg9[%dma_start3A_28, %multiple_of3A] : memref<64x100000xf32, #tpu.memory_space<hbm>> -> memref<64x128xf32, #tpu.memory_space<hbm>>
      %dma_start3A_30 = arith.constant 0 : i32
      %dma_start3A_31 = arith.constant 0 : i32
      %dma_start3A_32 = tpu.memref_slice %arg19[%dma_start3A_23, %dma_start3A_30, %dma_start3A_31] : memref<4x64x128xf32, #tpu.memory_space<vmem>> -> memref<1x64x128xf32, #tpu.memory_space<vmem>>
      %dma_start3A_33 = tpu.memref_squeeze %dma_start3A_32 : memref<1x64x128xf32, #tpu.memory_space<vmem>> -> memref<64x128xf32, #tpu.memory_space<vmem>>
      %dma_start3A_34 = arith.constant 0 : i32
      %dma_start3A_35 = tpu.memref_slice %arg9[%dma_start3A_34, %multiple_of3A] : memref<64x100000xf32, #tpu.memory_space<hbm>> -> memref<64x128xf32, #tpu.memory_space<hbm>>
      tpu.enqueue_dma source(%dma_start3A_35 : memref<64x128xf32, #tpu.memory_space<hbm>>) target(%dma_start3A_33 : memref<64x128xf32, #tpu.memory_space<vmem>>) target_semaphore(%arg27 : memref<!tpu.dma_semaphore, #tpu.memory_space<semaphore_mem>>)
      %add3A_36 = arith.constant 16 : i32
      %add3A_37 = arith.addi %arg1, %add3A_36 : i32
      %lt3A_38 = arith.constant 50 : i32
      %lt3A_39 = arith.cmpi slt, %add3A_37, %lt3A_38 : i32
      %jit3A_40 = arith.constant 0 : i32
      %select_n3A_41 = arith.select %lt3A_39, %add3A_37, %jit3A_40 : i32
      %broadcast_in_dim3A_42 = vector.broadcast %select_n3A_41 : i32 to vector<16xi32>
      %gather3A_43 = tpu.vector_load_idx %arg14[%broadcast_in_dim3A_42] : memref<64xi32, #tpu.memory_space<vmem>>[vector<16xi32>], vector<16xi32>,
      %slice3A_44 = vector.extract_strided_slice %gather3A_43 {offsets = [0], sizes = [1], strides = [1]} : vector<16xi32> to vector<1xi32>
      %squeeze3A_45 = vector.extract %slice3A_44[0] : i32 from vector<1xi32>
      %jit3A_46 = arith.constant 0 : i32
      %select_n3A_47 = arith.select %lt3A_39, %squeeze3A_45, %jit3A_46 : i32
      %shift_right_arithmetic3A_48 = arith.constant 7 : i32
      %shift_right_arithmetic3A_49 = arith.shrsi %select_n3A_47, %shift_right_arithmetic3A_48 : i32
      %shift_left3A_50 = arith.constant 7 : i32
      %shift_left3A_51 = arith.shli %shift_right_arithmetic3A_49, %shift_left3A_50 : i32
      %multiple_of3A_52 = tpu.assume_multiple %shift_left3A_51, 128 : i32
      %and3A_53 = arith.constant 127 : i32
      %and3A_54 = arith.andi %select_n3A_47, %and3A_53 : i32
      %dma_start3A_55 = arith.constant 1 : i32
      %dma_start3A_56 = arith.constant 0 : i32
      %dma_start3A_57 = arith.constant 0 : i32
      %dma_start3A_58 = tpu.memref_slice %arg19[%dma_start3A_55, %dma_start3A_56, %dma_start3A_57] : memref<4x64x128xf32, #tpu.memory_space<vmem>> -> memref<1x64x128xf32, #tpu.memory_space<vmem>>
      %dma_start3A_59 = tpu.memref_squeeze %dma_start3A_58 : memref<1x64x128xf32, #tpu.memory_space<vmem>> -> memref<64x128xf32, #tpu.memory_space<vmem>>
      %dma_start3A_60 = arith.constant 0 : i32
      %dma_start3A_61 = tpu.memref_slice %arg9[%dma_start3A_60, %multiple_of3A_52] : memref<64x100000xf32, #tpu.memory_space<hbm>> -> memref<64x128xf32, #tpu.memory_space<hbm>>
      %dma_start3A_62 = arith.constant 0 : i32
      %dma_start3A_63 = arith.constant 0 : i32
      %dma_start3A_64 = tpu.memref_slice %arg19[%dma_start3A_55, %dma_start3A_62, %dma_start3A_63] : memref<4x64x128xf32, #tpu.memory_space<vmem>> -> memref<1x64x128xf32, #tpu.memory_space<vmem>>
      %dma_start3A_65 = tpu.memref_squeeze %dma_start3A_64 : memref<1x64x128xf32, #tpu.memory_space<vmem>> -> memref<64x128xf32, #tpu.memory_space<vmem>>
      %dma_start3A_66 = arith.constant 0 : i32
      %dma_start3A_67 = tpu.memref_slice %arg9[%dma_start3A_66, %multiple_of3A_52] : memref<64x100000xf32, #tpu.memory_space<hbm>> -> memref<64x128xf32, #tpu.memory_space<hbm>>
      tpu.enqueue_dma source(%dma_start3A_67 : memref<64x128xf32, #tpu.memory_space<hbm>>) target(%dma_start3A_65 : memref<64x128xf32, #tpu.memory_space<vmem>>) target_semaphore(%arg27 : memref<!tpu.dma_semaphore, #tpu.memory_space<semaphore_mem>>)
      %add3A_68 = arith.constant 32 : i32
      %add3A_69 = arith.addi %arg1, %add3A_68 : i32
      %lt3A_70 = arith.constant 50 : i32
      %lt3A_71 = arith.cmpi slt, %add3A_69, %lt3A_70 : i32
      %jit3A_72 = arith.constant 0 : i32
      %select_n3A_73 = arith.select %lt3A_71, %add3A_69, %jit3A_72 : i32
      %broadcast_in_dim3A_74 = vector.broadcast %select_n3A_73 : i32 to vector<16xi32>
      %gather3A_75 = tpu.vector_load_idx %arg14[%broadcast_in_dim3A_74] : memref<64xi32, #tpu.memory_space<vmem>>[vector<16xi32>], vector<16xi32>,
      %slice3A_76 = vector.extract_strided_slice %gather3A_75 {offsets = [0], sizes = [1], strides = [1]} : vector<16xi32> to vector<1xi32>
      %squeeze3A_77 = vector.extract %slice3A_76[0] : i32 from vector<1xi32>
      %jit3A_78 = arith.constant 0 : i32
      %select_n3A_79 = arith.select %lt3A_71, %squeeze3A_77, %jit3A_78 : i32
      %shift_right_arithmetic3A_80 = arith.constant 7 : i32
      %shift_right_arithmetic3A_81 = arith.shrsi %select_n3A_79, %shift_right_arithmetic3A_80 : i32
      %shift_left3A_82 = arith.constant 7 : i32
      %shift_left3A_83 = arith.shli %shift_right_arithmetic3A_81, %shift_left3A_82 : i32
      %multiple_of3A_84 = tpu.assume_multiple %shift_left3A_83, 128 : i32
      %and3A_85 = arith.constant 127 : i32
      %and3A_86 = arith.andi %select_n3A_79, %and3A_85 : i32
      %dma_start3A_87 = arith.constant 2 : i32
      %dma_start3A_88 = arith.constant 0 : i32
      %dma_start3A_89 = arith.constant 0 : i32
      %dma_start3A_90 = tpu.memref_slice %arg19[%dma_start3A_87, %dma_start3A_88, %dma_start3A_89] : memref<4x64x128xf32, #tpu.memory_space<vmem>> -> memref<1x64x128xf32, #tpu.memory_space<vmem>>
      %dma_start3A_91 = tpu.memref_squeeze %dma_start3A_90 : memref<1x64x128xf32, #tpu.memory_space<vmem>> -> memref<64x128xf32, #tpu.memory_space<vmem>>
      %dma_start3A_92 = arith.constant 0 : i32
      %dma_start3A_93 = tpu.memref_slice %arg9[%dma_start3A_92, %multiple_of3A_84] : memref<64x100000xf32, #tpu.memory_space<hbm>> -> memref<64x128xf32, #tpu.memory_space<hbm>>
      %dma_start3A_94 = arith.constant 0 : i32
      %dma_start3A_95 = arith.constant 0 : i32
      %dma_start3A_96 = tpu.memref_slice %arg19[%dma_start3A_87, %dma_start3A_94, %dma_start3A_95] : memref<4x64x128xf32, #tpu.memory_space<vmem>> -> memref<1x64x128xf32, #tpu.memory_space<vmem>>
      %dma_start3A_97 = tpu.memref_squeeze %dma_start3A_96 : memref<1x64x128xf32, #tpu.memory_space<vmem>> -> memref<64x128xf32, #tpu.memory_space<vmem>>
      %dma_start3A_98 = arith.constant 0 : i32
      %dma_start3A_99 = tpu.memref_slice %arg9[%dma_start3A_98, %multiple_of3A_84] : memref<64x100000xf32, #tpu.memory_space<hbm>> -> memref<64x128xf32, #tpu.memory_space<hbm>>
      tpu.enqueue_dma source(%dma_start3A_99 : memref<64x128xf32, #tpu.memory_space<hbm>>) target(%dma_start3A_97 : memref<64x128xf32, #tpu.memory_space<vmem>>) target_semaphore(%arg27 : memref<!tpu.dma_semaphore, #tpu.memory_space<semaphore_mem>>)
      %add3A_100 = arith.constant 48 : i32
      %add3A_101 = arith.addi %arg1, %add3A_100 : i32
      %lt3A_102 = arith.constant 50 : i32
      %lt3A_103 = arith.cmpi slt, %add3A_101, %lt3A_102 : i32
      %jit3A_104 = arith.constant 0 : i32
      %select_n3A_105 = arith.select %lt3A_103, %add3A_101, %jit3A_104 : i32
      %broadcast_in_dim3A_106 = vector.broadcast %select_n3A_105 : i32 to vector<16xi32>
      %gather3A_107 = tpu.vector_load_idx %arg14[%broadcast_in_dim3A_106] : memref<64xi32, #tpu.memory_space<vmem>>[vector<16xi32>], vector<16xi32>,
      %slice3A_108 = vector.extract_strided_slice %gather3A_107 {offsets = [0], sizes = [1], strides = [1]} : vector<16xi32> to vector<1xi32>
      %squeeze3A_109 = vector.extract %slice3A_108[0] : i32 from vector<1xi32>
      %jit3A_110 = arith.constant 0 : i32
      %select_n3A_111 = arith.select %lt3A_103, %squeeze3A_109, %jit3A_110 : i32
      %shift_right_arithmetic3A_112 = arith.constant 7 : i32
      %shift_right_arithmetic3A_113 = arith.shrsi %select_n3A_111, %shift_right_arithmetic3A_112 : i32
      %shift_left3A_114 = arith.constant 7 : i32
      %shift_left3A_115 = arith.shli %shift_right_arithmetic3A_113, %shift_left3A_114 : i32
      %multiple_of3A_116 = tpu.assume_multiple %shift_left3A_115, 128 : i32
      %and3A_117 = arith.constant 127 : i32
      %and3A_118 = arith.andi %select_n3A_111, %and3A_117 : i32
      %dma_start3A_119 = arith.constant 3 : i32
      %dma_start3A_120 = arith.constant 0 : i32
      %dma_start3A_121 = arith.constant 0 : i32
      %dma_start3A_122 = tpu.memref_slice %arg19[%dma_start3A_119, %dma_start3A_120, %dma_start3A_121] : memref<4x64x128xf32, #tpu.memory_space<vmem>> -> memref<1x64x128xf32, #tpu.memory_space<vmem>>
      %dma_start3A_123 = tpu.memref_squeeze %dma_start3A_122 : memref<1x64x128xf32, #tpu.memory_space<vmem>> -> memref<64x128xf32, #tpu.memory_space<vmem>>
      %dma_start3A_124 = arith.constant 0 : i32
      %dma_start3A_125 = tpu.memref_slice %arg9[%dma_start3A_124, %multiple_of3A_116] : memref<64x100000xf32, #tpu.memory_space<hbm>> -> memref<64x128xf32, #tpu.memory_space<hbm>>
      %dma_start3A_126 = arith.constant 0 : i32
      %dma_start3A_127 = arith.constant 0 : i32
      %dma_start3A_128 = tpu.memref_slice %arg19[%dma_start3A_119, %dma_start3A_126, %dma_start3A_127] : memref<4x64x128xf32, #tpu.memory_space<vmem>> -> memref<1x64x128xf32, #tpu.memory_space<vmem>>
      %dma_start3A_129 = tpu.memref_squeeze %dma_start3A_128 : memref<1x64x128xf32, #tpu.memory_space<vmem>> -> memref<64x128xf32, #tpu.memory_space<vmem>>
      %dma_start3A_130 = arith.constant 0 : i32
      %dma_start3A_131 = tpu.memref_slice %arg9[%dma_start3A_130, %multiple_of3A_116] : memref<64x100000xf32, #tpu.memory_space<hbm>> -> memref<64x128xf32, #tpu.memory_space<hbm>>
      tpu.enqueue_dma source(%dma_start3A_131 : memref<64x128xf32, #tpu.memory_space<hbm>>) target(%dma_start3A_129 : memref<64x128xf32, #tpu.memory_space<vmem>>) target_semaphore(%arg27 : memref<!tpu.dma_semaphore, #tpu.memory_space<semaphore_mem>>)
      %dma_wait3A_132 = arith.constant 0 : i32
      %dma_wait3A_133 = tpu.memref_slice %arg12[%dma_wait3A_132] : memref<16xi32, #tpu.memory_space<vmem>> -> memref<1xi32, #tpu.memory_space<vmem>>
      %dma_wait3A_134 = arith.constant 0 : i32
      %dma_wait3A_135 = tpu.memref_slice %arg12[%dma_wait3A_134] : memref<16xi32, #tpu.memory_space<vmem>> -> memref<1xi32, #tpu.memory_space<vmem>>
      tpu.wait_dma2 semaphore(%arg24 : memref<!tpu.dma_semaphore, #tpu.memory_space<semaphore_mem>>) src(%arg2 : memref<1xi32, #tpu.memory_space<hbm>>) dst(%dma_wait3A_135 : memref<1xi32, #tpu.memory_space<vmem>>)
      %dma_wait3A_136 = arith.constant 0 : i32
      %dma_wait3A_137 = tpu.memref_slice %arg13[%dma_wait3A_136] : memref<16xi32, #tpu.memory_space<vmem>> -> memref<1xi32, #tpu.memory_space<vmem>>
      %dma_wait3A_138 = arith.constant 0 : i32
      %dma_wait3A_139 = tpu.memref_slice %arg13[%dma_wait3A_138] : memref<16xi32, #tpu.memory_space<vmem>> -> memref<1xi32, #tpu.memory_space<vmem>>
      tpu.wait_dma2 semaphore(%arg25 : memref<!tpu.dma_semaphore, #tpu.memory_space<semaphore_mem>>) src(%arg3 : memref<1xi32, #tpu.memory_space<hbm>>) dst(%dma_wait3A_139 : memref<1xi32, #tpu.memory_space<vmem>>)
      %eq3A_140 = arith.constant 2 : i32
      %eq3A_141 = arith.cmpi eq, %arg1, %eq3A_140 : i32
      %convert_element_type3A_142 = arith.extui %eq3A_141 : i1 to i32
      %cond3A_143 = arith.constant 0 : i32
      %cond3A_144 = arith.cmpi ne, %convert_element_type3A_142, %cond3A_143 : i32
      scf.if %cond3A_144 {
        %get3A = arith.constant 0 : index
        %get3A_326 = tpu.vector_load %arg12[%get3A] {strides = array<i32>} : memref<16xi32, #tpu.memory_space<vmem>>, vector<16xi32>,
        %slice3A_327 = vector.extract_strided_slice %get3A_326 {offsets = [0], sizes = [1], strides = [1]} : vector<16xi32> to vector<1xi32>
        %squeeze3A_328 = vector.extract %slice3A_327[0] : i32 from vector<1xi32>
        %shift_right_arithmetic3A_329 = arith.constant 7 : i32
        %shift_right_arithmetic3A_330 = arith.shrsi %squeeze3A_328, %shift_right_arithmetic3A_329 : i32
        %shift_left3A_331 = arith.constant 7 : i32
        %shift_left3A_332 = arith.shli %shift_right_arithmetic3A_330, %shift_left3A_331 : i32
        %multiple_of3A_333 = tpu.assume_multiple %shift_left3A_332, 128 : i32
        %and3A_334 = arith.constant 127 : i32
        %and3A_335 = arith.andi %squeeze3A_328, %and3A_334 : i32
        %dma_start3A_336 = arith.constant 0 : i32
        %dma_start3A_337 = arith.constant 0 : i32
        %dma_start3A_338 = arith.constant 0 : i32
        %dma_start3A_339 = tpu.memref_slice %arg17[%dma_start3A_336, %dma_start3A_337, %dma_start3A_338] : memref<1x64x128xf32, #tpu.memory_space<vmem>> -> memref<1x64x128xf32, #tpu.memory_space<vmem>>
        %dma_start3A_340 = tpu.memref_squeeze %dma_start3A_339 : memref<1x64x128xf32, #tpu.memory_space<vmem>> -> memref<64x128xf32, #tpu.memory_space<vmem>>
        %dma_start3A_341 = arith.constant 0 : i32
        %dma_start3A_342 = tpu.memref_slice %arg7[%dma_start3A_341, %multiple_of3A_333] : memref<64x100000xf32, #tpu.memory_space<hbm>> -> memref<64x128xf32, #tpu.memory_space<hbm>>
        %dma_start3A_343 = arith.constant 0 : i32
        %dma_start3A_344 = arith.constant 0 : i32
        %dma_start3A_345 = tpu.memref_slice %arg17[%dma_start3A_336, %dma_start3A_343, %dma_start3A_344] : memref<1x64x128xf32, #tpu.memory_space<vmem>> -> memref<1x64x128xf32, #tpu.memory_space<vmem>>
        %dma_start3A_346 = tpu.memref_squeeze %dma_start3A_345 : memref<1x64x128xf32, #tpu.memory_space<vmem>> -> memref<64x128xf32, #tpu.memory_space<vmem>>
        %dma_start3A_347 = arith.constant 0 : i32
        %dma_start3A_348 = tpu.memref_slice %arg7[%dma_start3A_347, %multiple_of3A_333] : memref<64x100000xf32, #tpu.memory_space<hbm>> -> memref<64x128xf32, #tpu.memory_space<hbm>>
        tpu.enqueue_dma source(%dma_start3A_348 : memref<64x128xf32, #tpu.memory_space<hbm>>) target(%dma_start3A_346 : memref<64x128xf32, #tpu.memory_space<vmem>>) target_semaphore(%arg24 : memref<!tpu.dma_semaphore, #tpu.memory_space<semaphore_mem>>)
        %dma_start3A_349 = arith.constant 0 : i32
        %dma_start3A_350 = tpu.memref_slice %arg5[%dma_start3A_349, %multiple_of3A_333] : memref<1x100000xf32, #tpu.memory_space<hbm>> -> memref<1x128xf32, #tpu.memory_space<hbm>>
        %dma_start3A_351 = arith.constant 0 : i32
        %dma_start3A_352 = tpu.memref_slice %arg5[%dma_start3A_351, %multiple_of3A_333] : memref<1x100000xf32, #tpu.memory_space<hbm>> -> memref<1x128xf32, #tpu.memory_space<hbm>>
        tpu.enqueue_dma source(%dma_start3A_352 : memref<1x128xf32, #tpu.memory_space<hbm>>) target(%arg15 : memref<1x128xf32, #tpu.memory_space<vmem>>) target_semaphore(%arg25 : memref<!tpu.dma_semaphore, #tpu.memory_space<semaphore_mem>>)
        %dma_wait3A_353 = arith.constant 0 : i32
        %dma_wait3A_354 = arith.constant 0 : i32
        %dma_wait3A_355 = arith.constant 0 : i32
        %dma_wait3A_356 = tpu.memref_slice %arg17[%dma_wait3A_353, %dma_wait3A_354, %dma_wait3A_355] : memref<1x64x128xf32, #tpu.memory_space<vmem>> -> memref<1x64x128xf32, #tpu.memory_space<vmem>>
        %dma_wait3A_357 = tpu.memref_squeeze %dma_wait3A_356 : memref<1x64x128xf32, #tpu.memory_space<vmem>> -> memref<64x128xf32, #tpu.memory_space<vmem>>
        %dma_wait3A_358 = arith.constant 0 : i32
        %dma_wait3A_359 = tpu.memref_slice %arg7[%dma_wait3A_358, %multiple_of3A_333] : memref<64x100000xf32, #tpu.memory_space<hbm>> -> memref<64x128xf32, #tpu.memory_space<hbm>>
        %dma_wait3A_360 = arith.constant 0 : i32
        %dma_wait3A_361 = arith.constant 0 : i32
        %dma_wait3A_362 = tpu.memref_slice %arg17[%dma_wait3A_353, %dma_wait3A_360, %dma_wait3A_361] : memref<1x64x128xf32, #tpu.memory_space<vmem>> -> memref<1x64x128xf32, #tpu.memory_space<vmem>>
        %dma_wait3A_363 = tpu.memref_squeeze %dma_wait3A_362 : memref<1x64x128xf32, #tpu.memory_space<vmem>> -> memref<64x128xf32, #tpu.memory_space<vmem>>
        %dma_wait3A_364 = arith.constant 0 : i32
        %dma_wait3A_365 = tpu.memref_slice %arg7[%dma_wait3A_364, %multiple_of3A_333] : memref<64x100000xf32, #tpu.memory_space<hbm>> -> memref<64x128xf32, #tpu.memory_space<hbm>>
        tpu.wait_dma2 semaphore(%arg24 : memref<!tpu.dma_semaphore, #tpu.memory_space<semaphore_mem>>) src(%dma_wait3A_365 : memref<64x128xf32, #tpu.memory_space<hbm>>) dst(%dma_wait3A_363 : memref<64x128xf32, #tpu.memory_space<vmem>>)
        %dma_wait3A_366 = arith.constant 0 : i32
        %dma_wait3A_367 = tpu.memref_slice %arg5[%dma_wait3A_366, %multiple_of3A_333] : memref<1x100000xf32, #tpu.memory_space<hbm>> -> memref<1x128xf32, #tpu.memory_space<hbm>>
        %dma_wait3A_368 = arith.constant 0 : i32
        %dma_wait3A_369 = tpu.memref_slice %arg5[%dma_wait3A_368, %multiple_of3A_333] : memref<1x100000xf32, #tpu.memory_space<hbm>> -> memref<1x128xf32, #tpu.memory_space<hbm>>
        tpu.wait_dma2 semaphore(%arg25 : memref<!tpu.dma_semaphore, #tpu.memory_space<semaphore_mem>>) src(%dma_wait3A_369 : memref<1x128xf32, #tpu.memory_space<hbm>>) dst(%arg15 : memref<1x128xf32, #tpu.memory_space<vmem>>)
        %broadcast_in_dim3A_370 = arith.constant 0 : i32
        %broadcast_in_dim3A_371 = vector.broadcast %broadcast_in_dim3A_370 : i32 to vector<16xi32>
        %broadcast_in_dim3A_372 = vector.broadcast %and3A_335 : i32 to vector<16xi32>
        %add3A_373 = arith.constant 0 : i32
        %add3A_374 = vector.broadcast %add3A_373 : i32 to vector<16xi32>
        %add3A_375 = arith.addi %iota3A, %add3A_374 : vector<16xi32>
        %gather3A_376 = tpu.vector_load_idx %arg17[%broadcast_in_dim3A_371, %add3A_375, %broadcast_in_dim3A_372] : memref<1x64x128xf32, #tpu.memory_space<vmem>>[vector<16xi32>, vector<16xi32>, vector<16xi32>], vector<16xf32>,
        %add3A_377 = arith.constant 16 : i32
        %add3A_378 = vector.broadcast %add3A_377 : i32 to vector<16xi32>
        %add3A_379 = arith.addi %iota3A, %add3A_378 : vector<16xi32>
        %gather3A_380 = tpu.vector_load_idx %arg17[%broadcast_in_dim3A_371, %add3A_379, %broadcast_in_dim3A_372] : memref<1x64x128xf32, #tpu.memory_space<vmem>>[vector<16xi32>, vector<16xi32>, vector<16xi32>], vector<16xf32>,
        %add3A_381 = arith.constant 32 : i32
        %add3A_382 = vector.broadcast %add3A_381 : i32 to vector<16xi32>
        %add3A_383 = arith.addi %iota3A, %add3A_382 : vector<16xi32>
        %gather3A_384 = tpu.vector_load_idx %arg17[%broadcast_in_dim3A_371, %add3A_383, %broadcast_in_dim3A_372] : memref<1x64x128xf32, #tpu.memory_space<vmem>>[vector<16xi32>, vector<16xi32>, vector<16xi32>], vector<16xf32>,
        %add3A_385 = arith.constant 48 : i32
        %add3A_386 = vector.broadcast %add3A_385 : i32 to vector<16xi32>
        %add3A_387 = arith.addi %iota3A, %add3A_386 : vector<16xi32>
        %gather3A_388 = tpu.vector_load_idx %arg17[%broadcast_in_dim3A_371, %add3A_387, %broadcast_in_dim3A_372] : memref<1x64x128xf32, #tpu.memory_space<vmem>>[vector<16xi32>, vector<16xi32>, vector<16xi32>], vector<16xf32>,
        %swap3A_389 = arith.constant 64 : index
        %swap3A_390 = tpu.vector_load %arg20[%swap3A_389] {strides = array<i32>} : memref<128xf32, #tpu.memory_space<vmem>>, vector<16xf32>,
        tpu.vector_store %arg20[%swap3A_389], %gather3A_376 {strides = array<i32>} : memref<128xf32, #tpu.memory_space<vmem>>, vector<16xf32>,
        %swap3A_391 = arith.constant 80 : index
        %swap3A_392 = tpu.vector_load %arg20[%swap3A_391] {strides = array<i32>} : memref<128xf32, #tpu.memory_space<vmem>>, vector<16xf32>,
        tpu.vector_store %arg20[%swap3A_391], %gather3A_380 {strides = array<i32>} : memref<128xf32, #tpu.memory_space<vmem>>, vector<16xf32>,
        %swap3A_393 = arith.constant 96 : index
        %swap3A_394 = tpu.vector_load %arg20[%swap3A_393] {strides = array<i32>} : memref<128xf32, #tpu.memory_space<vmem>>, vector<16xf32>,
        tpu.vector_store %arg20[%swap3A_393], %gather3A_384 {strides = array<i32>} : memref<128xf32, #tpu.memory_space<vmem>>, vector<16xf32>,
        %swap3A_395 = arith.constant 112 : index
        %swap3A_396 = tpu.vector_load %arg20[%swap3A_395] {strides = array<i32>} : memref<128xf32, #tpu.memory_space<vmem>>, vector<16xf32>,
        tpu.vector_store %arg20[%swap3A_395], %gather3A_388 {strides = array<i32>} : memref<128xf32, #tpu.memory_space<vmem>>, vector<16xf32>,
        %broadcast_in_dim3A_397 = arith.constant 0 : i32
        %broadcast_in_dim3A_398 = vector.broadcast %broadcast_in_dim3A_397 : i32 to vector<16xi32>
        %broadcast_in_dim3A_399 = vector.broadcast %and3A_335 : i32 to vector<16xi32>
        %gather3A_400 = tpu.vector_load_idx %arg15[%broadcast_in_dim3A_398, %broadcast_in_dim3A_399] : memref<1x128xf32, #tpu.memory_space<vmem>>[vector<16xi32>, vector<16xi32>], vector<16xf32>,
        %swap3A_401 = arith.constant 0 : index
        %swap3A_402 = tpu.vector_load %arg21[%swap3A_401] {strides = array<i32>} : memref<16xf32, #tpu.memory_space<vmem>>, vector<16xf32>,
        tpu.vector_store %arg21[%swap3A_401], %gather3A_400 {strides = array<i32>} : memref<16xf32, #tpu.memory_space<vmem>>, vector<16xf32>,
        "tpu.region"() ({
          %run_scoped3A = tpu.sem_alloc : memref<!tpu.dma_semaphore, #tpu.memory_space<semaphore_mem>>
          %dma_start3A_403 = arith.constant 64 : i32
          %dma_start3A_404 = tpu.memref_slice %arg20[%dma_start3A_403] : memref<128xf32, #tpu.memory_space<vmem>> -> memref<64xf32, #tpu.memory_space<vmem>>
          %dma_start3A_405 = arith.constant 1024 : i32
          %dma_start3A_406 = tpu.memref_slice %arg11[%dma_start3A_405] : memref<1216xf32, #tpu.memory_space<hbm>> -> memref<64xf32, #tpu.memory_space<hbm>>
          %dma_start3A_407 = arith.constant 1024 : i32
          %dma_start3A_408 = tpu.memref_slice %arg11[%dma_start3A_407] : memref<1216xf32, #tpu.memory_space<hbm>> -> memref<64xf32, #tpu.memory_space<hbm>>
          %dma_start3A_409 = arith.constant 64 : i32
          %dma_start3A_410 = tpu.memref_slice %arg20[%dma_start3A_409] : memref<128xf32, #tpu.memory_space<vmem>> -> memref<64xf32, #tpu.memory_space<vmem>>
          tpu.enqueue_dma source(%dma_start3A_410 : memref<64xf32, #tpu.memory_space<vmem>>) target(%dma_start3A_408 : memref<64xf32, #tpu.memory_space<hbm>>) target_semaphore(%run_scoped3A : memref<!tpu.dma_semaphore, #tpu.memory_space<semaphore_mem>>)
          %dma_wait3A_411 = arith.constant 64 : i32
          %dma_wait3A_412 = tpu.memref_slice %arg20[%dma_wait3A_411] : memref<128xf32, #tpu.memory_space<vmem>> -> memref<64xf32, #tpu.memory_space<vmem>>
          %dma_wait3A_413 = arith.constant 1024 : i32
          %dma_wait3A_414 = tpu.memref_slice %arg11[%dma_wait3A_413] : memref<1216xf32, #tpu.memory_space<hbm>> -> memref<64xf32, #tpu.memory_space<hbm>>
          %dma_wait3A_415 = arith.constant 1024 : i32
          %dma_wait3A_416 = tpu.memref_slice %arg11[%dma_wait3A_415] : memref<1216xf32, #tpu.memory_space<hbm>> -> memref<64xf32, #tpu.memory_space<hbm>>
          %dma_wait3A_417 = arith.constant 64 : i32
          %dma_wait3A_418 = tpu.memref_slice %arg20[%dma_wait3A_417] : memref<128xf32, #tpu.memory_space<vmem>> -> memref<64xf32, #tpu.memory_space<vmem>>
          tpu.wait_dma2 semaphore(%run_scoped3A : memref<!tpu.dma_semaphore, #tpu.memory_space<semaphore_mem>>) src(%dma_wait3A_418 : memref<64xf32, #tpu.memory_space<vmem>>) dst(%dma_wait3A_416 : memref<64xf32, #tpu.memory_space<hbm>>)
          tpu.yield
        }) : () -> ()
        "tpu.region"() ({
          %run_scoped3A = tpu.sem_alloc : memref<!tpu.dma_semaphore, #tpu.memory_space<semaphore_mem>>
          %dma_start3A_403 = arith.constant 1152 : i32
          %dma_start3A_404 = tpu.memref_slice %arg11[%dma_start3A_403] : memref<1216xf32, #tpu.memory_space<hbm>> -> memref<16xf32, #tpu.memory_space<hbm>>
          %dma_start3A_405 = arith.constant 1152 : i32
          %dma_start3A_406 = tpu.memref_slice %arg11[%dma_start3A_405] : memref<1216xf32, #tpu.memory_space<hbm>> -> memref<16xf32, #tpu.memory_space<hbm>>
          tpu.enqueue_dma source(%arg21 : memref<16xf32, #tpu.memory_space<vmem>>) target(%dma_start3A_406 : memref<16xf32, #tpu.memory_space<hbm>>) target_semaphore(%run_scoped3A : memref<!tpu.dma_semaphore, #tpu.memory_space<semaphore_mem>>)
          %dma_wait3A_407 = arith.constant 1152 : i32
          %dma_wait3A_408 = tpu.memref_slice %arg11[%dma_wait3A_407] : memref<1216xf32, #tpu.memory_space<hbm>> -> memref<16xf32, #tpu.memory_space<hbm>>
          %dma_wait3A_409 = arith.constant 1152 : i32
          %dma_wait3A_410 = tpu.memref_slice %arg11[%dma_wait3A_409] : memref<1216xf32, #tpu.memory_space<hbm>> -> memref<16xf32, #tpu.memory_space<hbm>>
          tpu.wait_dma2 semaphore(%run_scoped3A : memref<!tpu.dma_semaphore, #tpu.memory_space<semaphore_mem>>) src(%arg21 : memref<16xf32, #tpu.memory_space<vmem>>) dst(%dma_wait3A_410 : memref<16xf32, #tpu.memory_space<hbm>>)
          tpu.yield
        }) : () -> ()
      } else {
      }
      %eq3A_145 = arith.constant 3 : i32
      %eq3A_146 = arith.cmpi eq, %arg1, %eq3A_145 : i32
      %convert_element_type3A_147 = arith.extui %eq3A_146 : i1 to i32
      %cond3A_148 = arith.constant 0 : i32
      %cond3A_149 = arith.cmpi ne, %convert_element_type3A_147, %cond3A_148 : i32
      scf.if %cond3A_149 {
        %get3A = arith.constant 0 : index
        %get3A_326 = tpu.vector_load %arg13[%get3A] {strides = array<i32>} : memref<16xi32, #tpu.memory_space<vmem>>, vector<16xi32>,
        %slice3A_327 = vector.extract_strided_slice %get3A_326 {offsets = [0], sizes = [1], strides = [1]} : vector<16xi32> to vector<1xi32>
        %squeeze3A_328 = vector.extract %slice3A_327[0] : i32 from vector<1xi32>
        %shift_right_arithmetic3A_329 = arith.constant 7 : i32
        %shift_right_arithmetic3A_330 = arith.shrsi %squeeze3A_328, %shift_right_arithmetic3A_329 : i32
        %shift_left3A_331 = arith.constant 7 : i32
        %shift_left3A_332 = arith.shli %shift_right_arithmetic3A_330, %shift_left3A_331 : i32
        %multiple_of3A_333 = tpu.assume_multiple %shift_left3A_332, 128 : i32
        %and3A_334 = arith.constant 127 : i32
        %and3A_335 = arith.andi %squeeze3A_328, %and3A_334 : i32
        %dma_start3A_336 = arith.constant 0 : i32
        %dma_start3A_337 = arith.constant 0 : i32
        %dma_start3A_338 = arith.constant 0 : i32
        %dma_start3A_339 = tpu.memref_slice %arg18[%dma_start3A_336, %dma_start3A_337, %dma_start3A_338] : memref<1x64x128xf32, #tpu.memory_space<vmem>> -> memref<1x64x128xf32, #tpu.memory_space<vmem>>
        %dma_start3A_340 = tpu.memref_squeeze %dma_start3A_339 : memref<1x64x128xf32, #tpu.memory_space<vmem>> -> memref<64x128xf32, #tpu.memory_space<vmem>>
        %dma_start3A_341 = arith.constant 0 : i32
        %dma_start3A_342 = tpu.memref_slice %arg8[%dma_start3A_341, %multiple_of3A_333] : memref<64x100000xf32, #tpu.memory_space<hbm>> -> memref<64x128xf32, #tpu.memory_space<hbm>>
        %dma_start3A_343 = arith.constant 0 : i32
        %dma_start3A_344 = arith.constant 0 : i32
        %dma_start3A_345 = tpu.memref_slice %arg18[%dma_start3A_336, %dma_start3A_343, %dma_start3A_344] : memref<1x64x128xf32, #tpu.memory_space<vmem>> -> memref<1x64x128xf32, #tpu.memory_space<vmem>>
        %dma_start3A_346 = tpu.memref_squeeze %dma_start3A_345 : memref<1x64x128xf32, #tpu.memory_space<vmem>> -> memref<64x128xf32, #tpu.memory_space<vmem>>
        %dma_start3A_347 = arith.constant 0 : i32
        %dma_start3A_348 = tpu.memref_slice %arg8[%dma_start3A_347, %multiple_of3A_333] : memref<64x100000xf32, #tpu.memory_space<hbm>> -> memref<64x128xf32, #tpu.memory_space<hbm>>
        tpu.enqueue_dma source(%dma_start3A_348 : memref<64x128xf32, #tpu.memory_space<hbm>>) target(%dma_start3A_346 : memref<64x128xf32, #tpu.memory_space<vmem>>) target_semaphore(%arg24 : memref<!tpu.dma_semaphore, #tpu.memory_space<semaphore_mem>>)
        %dma_start3A_349 = arith.constant 0 : i32
        %dma_start3A_350 = tpu.memref_slice %arg6[%dma_start3A_349, %multiple_of3A_333] : memref<1x100000xf32, #tpu.memory_space<hbm>> -> memref<1x128xf32, #tpu.memory_space<hbm>>
        %dma_start3A_351 = arith.constant 0 : i32
        %dma_start3A_352 = tpu.memref_slice %arg6[%dma_start3A_351, %multiple_of3A_333] : memref<1x100000xf32, #tpu.memory_space<hbm>> -> memref<1x128xf32, #tpu.memory_space<hbm>>
        tpu.enqueue_dma source(%dma_start3A_352 : memref<1x128xf32, #tpu.memory_space<hbm>>) target(%arg16 : memref<1x128xf32, #tpu.memory_space<vmem>>) target_semaphore(%arg25 : memref<!tpu.dma_semaphore, #tpu.memory_space<semaphore_mem>>)
        %dma_wait3A_353 = arith.constant 0 : i32
        %dma_wait3A_354 = arith.constant 0 : i32
        %dma_wait3A_355 = arith.constant 0 : i32
        %dma_wait3A_356 = tpu.memref_slice %arg18[%dma_wait3A_353, %dma_wait3A_354, %dma_wait3A_355] : memref<1x64x128xf32, #tpu.memory_space<vmem>> -> memref<1x64x128xf32, #tpu.memory_space<vmem>>
        %dma_wait3A_357 = tpu.memref_squeeze %dma_wait3A_356 : memref<1x64x128xf32, #tpu.memory_space<vmem>> -> memref<64x128xf32, #tpu.memory_space<vmem>>
        %dma_wait3A_358 = arith.constant 0 : i32
        %dma_wait3A_359 = tpu.memref_slice %arg8[%dma_wait3A_358, %multiple_of3A_333] : memref<64x100000xf32, #tpu.memory_space<hbm>> -> memref<64x128xf32, #tpu.memory_space<hbm>>
        %dma_wait3A_360 = arith.constant 0 : i32
        %dma_wait3A_361 = arith.constant 0 : i32
        %dma_wait3A_362 = tpu.memref_slice %arg18[%dma_wait3A_353, %dma_wait3A_360, %dma_wait3A_361] : memref<1x64x128xf32, #tpu.memory_space<vmem>> -> memref<1x64x128xf32, #tpu.memory_space<vmem>>
        %dma_wait3A_363 = tpu.memref_squeeze %dma_wait3A_362 : memref<1x64x128xf32, #tpu.memory_space<vmem>> -> memref<64x128xf32, #tpu.memory_space<vmem>>
        %dma_wait3A_364 = arith.constant 0 : i32
        %dma_wait3A_365 = tpu.memref_slice %arg8[%dma_wait3A_364, %multiple_of3A_333] : memref<64x100000xf32, #tpu.memory_space<hbm>> -> memref<64x128xf32, #tpu.memory_space<hbm>>
        tpu.wait_dma2 semaphore(%arg24 : memref<!tpu.dma_semaphore, #tpu.memory_space<semaphore_mem>>) src(%dma_wait3A_365 : memref<64x128xf32, #tpu.memory_space<hbm>>) dst(%dma_wait3A_363 : memref<64x128xf32, #tpu.memory_space<vmem>>)
        %dma_wait3A_366 = arith.constant 0 : i32
        %dma_wait3A_367 = tpu.memref_slice %arg6[%dma_wait3A_366, %multiple_of3A_333] : memref<1x100000xf32, #tpu.memory_space<hbm>> -> memref<1x128xf32, #tpu.memory_space<hbm>>
        %dma_wait3A_368 = arith.constant 0 : i32
        %dma_wait3A_369 = tpu.memref_slice %arg6[%dma_wait3A_368, %multiple_of3A_333] : memref<1x100000xf32, #tpu.memory_space<hbm>> -> memref<1x128xf32, #tpu.memory_space<hbm>>
        tpu.wait_dma2 semaphore(%arg25 : memref<!tpu.dma_semaphore, #tpu.memory_space<semaphore_mem>>) src(%dma_wait3A_369 : memref<1x128xf32, #tpu.memory_space<hbm>>) dst(%arg16 : memref<1x128xf32, #tpu.memory_space<vmem>>)
        %broadcast_in_dim3A_370 = arith.constant 0 : i32
        %broadcast_in_dim3A_371 = vector.broadcast %broadcast_in_dim3A_370 : i32 to vector<16xi32>
        %broadcast_in_dim3A_372 = vector.broadcast %and3A_335 : i32 to vector<16xi32>
        %add3A_373 = arith.constant 0 : i32
        %add3A_374 = vector.broadcast %add3A_373 : i32 to vector<16xi32>
        %add3A_375 = arith.addi %iota3A, %add3A_374 : vector<16xi32>
        %gather3A_376 = tpu.vector_load_idx %arg18[%broadcast_in_dim3A_371, %add3A_375, %broadcast_in_dim3A_372] : memref<1x64x128xf32, #tpu.memory_space<vmem>>[vector<16xi32>, vector<16xi32>, vector<16xi32>], vector<16xf32>,
        %add3A_377 = arith.constant 16 : i32
        %add3A_378 = vector.broadcast %add3A_377 : i32 to vector<16xi32>
        %add3A_379 = arith.addi %iota3A, %add3A_378 : vector<16xi32>
        %gather3A_380 = tpu.vector_load_idx %arg18[%broadcast_in_dim3A_371, %add3A_379, %broadcast_in_dim3A_372] : memref<1x64x128xf32, #tpu.memory_space<vmem>>[vector<16xi32>, vector<16xi32>, vector<16xi32>], vector<16xf32>,
        %add3A_381 = arith.constant 32 : i32
        %add3A_382 = vector.broadcast %add3A_381 : i32 to vector<16xi32>
        %add3A_383 = arith.addi %iota3A, %add3A_382 : vector<16xi32>
        %gather3A_384 = tpu.vector_load_idx %arg18[%broadcast_in_dim3A_371, %add3A_383, %broadcast_in_dim3A_372] : memref<1x64x128xf32, #tpu.memory_space<vmem>>[vector<16xi32>, vector<16xi32>, vector<16xi32>], vector<16xf32>,
        %add3A_385 = arith.constant 48 : i32
        %add3A_386 = vector.broadcast %add3A_385 : i32 to vector<16xi32>
        %add3A_387 = arith.addi %iota3A, %add3A_386 : vector<16xi32>
        %gather3A_388 = tpu.vector_load_idx %arg18[%broadcast_in_dim3A_371, %add3A_387, %broadcast_in_dim3A_372] : memref<1x64x128xf32, #tpu.memory_space<vmem>>[vector<16xi32>, vector<16xi32>, vector<16xi32>], vector<16xf32>,
        %swap3A_389 = arith.constant 64 : index
        %swap3A_390 = tpu.vector_load %arg20[%swap3A_389] {strides = array<i32>} : memref<128xf32, #tpu.memory_space<vmem>>, vector<16xf32>,
        tpu.vector_store %arg20[%swap3A_389], %gather3A_376 {strides = array<i32>} : memref<128xf32, #tpu.memory_space<vmem>>, vector<16xf32>,
        %swap3A_391 = arith.constant 80 : index
        %swap3A_392 = tpu.vector_load %arg20[%swap3A_391] {strides = array<i32>} : memref<128xf32, #tpu.memory_space<vmem>>, vector<16xf32>,
        tpu.vector_store %arg20[%swap3A_391], %gather3A_380 {strides = array<i32>} : memref<128xf32, #tpu.memory_space<vmem>>, vector<16xf32>,
        %swap3A_393 = arith.constant 96 : index
        %swap3A_394 = tpu.vector_load %arg20[%swap3A_393] {strides = array<i32>} : memref<128xf32, #tpu.memory_space<vmem>>, vector<16xf32>,
        tpu.vector_store %arg20[%swap3A_393], %gather3A_384 {strides = array<i32>} : memref<128xf32, #tpu.memory_space<vmem>>, vector<16xf32>,
        %swap3A_395 = arith.constant 112 : index
        %swap3A_396 = tpu.vector_load %arg20[%swap3A_395] {strides = array<i32>} : memref<128xf32, #tpu.memory_space<vmem>>, vector<16xf32>,
        tpu.vector_store %arg20[%swap3A_395], %gather3A_388 {strides = array<i32>} : memref<128xf32, #tpu.memory_space<vmem>>, vector<16xf32>,
        %broadcast_in_dim3A_397 = arith.constant 0 : i32
        %broadcast_in_dim3A_398 = vector.broadcast %broadcast_in_dim3A_397 : i32 to vector<16xi32>
        %broadcast_in_dim3A_399 = vector.broadcast %and3A_335 : i32 to vector<16xi32>
        %gather3A_400 = tpu.vector_load_idx %arg16[%broadcast_in_dim3A_398, %broadcast_in_dim3A_399] : memref<1x128xf32, #tpu.memory_space<vmem>>[vector<16xi32>, vector<16xi32>], vector<16xf32>,
        %swap3A_401 = arith.constant 0 : index
        %swap3A_402 = tpu.vector_load %arg21[%swap3A_401] {strides = array<i32>} : memref<16xf32, #tpu.memory_space<vmem>>, vector<16xf32>,
        tpu.vector_store %arg21[%swap3A_401], %gather3A_400 {strides = array<i32>} : memref<16xf32, #tpu.memory_space<vmem>>, vector<16xf32>,
        "tpu.region"() ({
          %run_scoped3A = tpu.sem_alloc : memref<!tpu.dma_semaphore, #tpu.memory_space<semaphore_mem>>
          %dma_start3A_403 = arith.constant 64 : i32
          %dma_start3A_404 = tpu.memref_slice %arg20[%dma_start3A_403] : memref<128xf32, #tpu.memory_space<vmem>> -> memref<64xf32, #tpu.memory_space<vmem>>
          %dma_start3A_405 = arith.constant 1088 : i32
          %dma_start3A_406 = tpu.memref_slice %arg11[%dma_start3A_405] : memref<1216xf32, #tpu.memory_space<hbm>> -> memref<64xf32, #tpu.memory_space<hbm>>
          %dma_start3A_407 = arith.constant 1088 : i32
          %dma_start3A_408 = tpu.memref_slice %arg11[%dma_start3A_407] : memref<1216xf32, #tpu.memory_space<hbm>> -> memref<64xf32, #tpu.memory_space<hbm>>
          %dma_start3A_409 = arith.constant 64 : i32
          %dma_start3A_410 = tpu.memref_slice %arg20[%dma_start3A_409] : memref<128xf32, #tpu.memory_space<vmem>> -> memref<64xf32, #tpu.memory_space<vmem>>
          tpu.enqueue_dma source(%dma_start3A_410 : memref<64xf32, #tpu.memory_space<vmem>>) target(%dma_start3A_408 : memref<64xf32, #tpu.memory_space<hbm>>) target_semaphore(%run_scoped3A : memref<!tpu.dma_semaphore, #tpu.memory_space<semaphore_mem>>)
          %dma_wait3A_411 = arith.constant 64 : i32
          %dma_wait3A_412 = tpu.memref_slice %arg20[%dma_wait3A_411] : memref<128xf32, #tpu.memory_space<vmem>> -> memref<64xf32, #tpu.memory_space<vmem>>
          %dma_wait3A_413 = arith.constant 1088 : i32
          %dma_wait3A_414 = tpu.memref_slice %arg11[%dma_wait3A_413] : memref<1216xf32, #tpu.memory_space<hbm>> -> memref<64xf32, #tpu.memory_space<hbm>>
          %dma_wait3A_415 = arith.constant 1088 : i32
          %dma_wait3A_416 = tpu.memref_slice %arg11[%dma_wait3A_415] : memref<1216xf32, #tpu.memory_space<hbm>> -> memref<64xf32, #tpu.memory_space<hbm>>
          %dma_wait3A_417 = arith.constant 64 : i32
          %dma_wait3A_418 = tpu.memref_slice %arg20[%dma_wait3A_417] : memref<128xf32, #tpu.memory_space<vmem>> -> memref<64xf32, #tpu.memory_space<vmem>>
          tpu.wait_dma2 semaphore(%run_scoped3A : memref<!tpu.dma_semaphore, #tpu.memory_space<semaphore_mem>>) src(%dma_wait3A_418 : memref<64xf32, #tpu.memory_space<vmem>>) dst(%dma_wait3A_416 : memref<64xf32, #tpu.memory_space<hbm>>)
          tpu.yield
        }) : () -> ()
        "tpu.region"() ({
          %run_scoped3A = tpu.sem_alloc : memref<!tpu.dma_semaphore, #tpu.memory_space<semaphore_mem>>
          %dma_start3A_403 = arith.constant 1168 : i32
          %dma_start3A_404 = tpu.memref_slice %arg11[%dma_start3A_403] : memref<1216xf32, #tpu.memory_space<hbm>> -> memref<16xf32, #tpu.memory_space<hbm>>
          %dma_start3A_405 = arith.constant 1168 : i32
          %dma_start3A_406 = tpu.memref_slice %arg11[%dma_start3A_405] : memref<1216xf32, #tpu.memory_space<hbm>> -> memref<16xf32, #tpu.memory_space<hbm>>
          tpu.enqueue_dma source(%arg21 : memref<16xf32, #tpu.memory_space<vmem>>) target(%dma_start3A_406 : memref<16xf32, #tpu.memory_space<hbm>>) target_semaphore(%run_scoped3A : memref<!tpu.dma_semaphore, #tpu.memory_space<semaphore_mem>>)
          %dma_wait3A_407 = arith.constant 1168 : i32
          %dma_wait3A_408 = tpu.memref_slice %arg11[%dma_wait3A_407] : memref<1216xf32, #tpu.memory_space<hbm>> -> memref<16xf32, #tpu.memory_space<hbm>>
          %dma_wait3A_409 = arith.constant 1168 : i32
          %dma_wait3A_410 = tpu.memref_slice %arg11[%dma_wait3A_409] : memref<1216xf32, #tpu.memory_space<hbm>> -> memref<16xf32, #tpu.memory_space<hbm>>
          tpu.wait_dma2 semaphore(%run_scoped3A : memref<!tpu.dma_semaphore, #tpu.memory_space<semaphore_mem>>) src(%arg21 : memref<16xf32, #tpu.memory_space<vmem>>) dst(%dma_wait3A_410 : memref<16xf32, #tpu.memory_space<hbm>>)
          tpu.yield
        }) : () -> ()
      } else {
      }
      %broadcast_in_dim3A_150 = arith.constant 0.000000e+00 : f32
      %broadcast_in_dim3A_151 = vector.broadcast %broadcast_in_dim3A_150 : f32 to vector<16xf32>
      %dma_wait3A_152 = arith.constant 0 : i32
      %dma_wait3A_153 = arith.constant 0 : i32
      %dma_wait3A_154 = arith.constant 0 : i32
      %dma_wait3A_155 = tpu.memref_slice %arg19[%dma_wait3A_152, %dma_wait3A_153, %dma_wait3A_154] : memref<4x64x128xf32, #tpu.memory_space<vmem>> -> memref<1x64x128xf32, #tpu.memory_space<vmem>>
      %dma_wait3A_156 = tpu.memref_squeeze %dma_wait3A_155 : memref<1x64x128xf32, #tpu.memory_space<vmem>> -> memref<64x128xf32, #tpu.memory_space<vmem>>
      %dma_wait3A_157 = arith.constant 0 : i32
      %dma_wait3A_158 = tpu.memref_slice %arg9[%dma_wait3A_157, %multiple_of3A] : memref<64x100000xf32, #tpu.memory_space<hbm>> -> memref<64x128xf32, #tpu.memory_space<hbm>>
      %dma_wait3A_159 = arith.constant 0 : i32
      %dma_wait3A_160 = arith.constant 0 : i32
      %dma_wait3A_161 = tpu.memref_slice %arg19[%dma_wait3A_152, %dma_wait3A_159, %dma_wait3A_160] : memref<4x64x128xf32, #tpu.memory_space<vmem>> -> memref<1x64x128xf32, #tpu.memory_space<vmem>>
      %dma_wait3A_162 = tpu.memref_squeeze %dma_wait3A_161 : memref<1x64x128xf32, #tpu.memory_space<vmem>> -> memref<64x128xf32, #tpu.memory_space<vmem>>
      %dma_wait3A_163 = arith.constant 0 : i32
      %dma_wait3A_164 = tpu.memref_slice %arg9[%dma_wait3A_163, %multiple_of3A] : memref<64x100000xf32, #tpu.memory_space<hbm>> -> memref<64x128xf32, #tpu.memory_space<hbm>>
      tpu.wait_dma2 semaphore(%arg27 : memref<!tpu.dma_semaphore, #tpu.memory_space<semaphore_mem>>) src(%dma_wait3A_164 : memref<64x128xf32, #tpu.memory_space<hbm>>) dst(%dma_wait3A_162 : memref<64x128xf32, #tpu.memory_space<vmem>>)
      %broadcast_in_dim3A_165 = arith.constant 0 : i32
      %broadcast_in_dim3A_166 = vector.broadcast %broadcast_in_dim3A_165 : i32 to vector<16xi32>
      %broadcast_in_dim3A_167 = vector.broadcast %and3A_22 : i32 to vector<16xi32>
      %add3A_168 = arith.constant 0 : i32
      %add3A_169 = vector.broadcast %add3A_168 : i32 to vector<16xi32>
      %add3A_170 = arith.addi %iota3A, %add3A_169 : vector<16xi32>
      %gather3A_171 = tpu.vector_load_idx %arg19[%broadcast_in_dim3A_166, %add3A_170, %broadcast_in_dim3A_167] : memref<4x64x128xf32, #tpu.memory_space<vmem>>[vector<16xi32>, vector<16xi32>, vector<16xi32>], vector<16xf32>,
      %add3A_172 = arith.constant 16 : i32
      %add3A_173 = vector.broadcast %add3A_172 : i32 to vector<16xi32>
      %add3A_174 = arith.addi %iota3A, %add3A_173 : vector<16xi32>
      %gather3A_175 = tpu.vector_load_idx %arg19[%broadcast_in_dim3A_166, %add3A_174, %broadcast_in_dim3A_167] : memref<4x64x128xf32, #tpu.memory_space<vmem>>[vector<16xi32>, vector<16xi32>, vector<16xi32>], vector<16xf32>,
      %add3A_176 = arith.constant 32 : i32
      %add3A_177 = vector.broadcast %add3A_176 : i32 to vector<16xi32>
      %add3A_178 = arith.addi %iota3A, %add3A_177 : vector<16xi32>
      %gather3A_179 = tpu.vector_load_idx %arg19[%broadcast_in_dim3A_166, %add3A_178, %broadcast_in_dim3A_167] : memref<4x64x128xf32, #tpu.memory_space<vmem>>[vector<16xi32>, vector<16xi32>, vector<16xi32>], vector<16xf32>,
      %add3A_180 = arith.constant 48 : i32
      %add3A_181 = vector.broadcast %add3A_180 : i32 to vector<16xi32>
      %add3A_182 = arith.addi %iota3A, %add3A_181 : vector<16xi32>
      %gather3A_183 = tpu.vector_load_idx %arg19[%broadcast_in_dim3A_166, %add3A_182, %broadcast_in_dim3A_167] : memref<4x64x128xf32, #tpu.memory_space<vmem>>[vector<16xi32>, vector<16xi32>, vector<16xi32>], vector<16xf32>,
      %select_n3A_184 = arith.select %lt3A_17, %gather3A_171, %broadcast_in_dim3A_151 : vector<16xf32>
      %add3A_185 = arith.addf %broadcast_in_dim3A_151, %select_n3A_184 : vector<16xf32>
      %select_n3A_186 = arith.select %lt3A_17, %gather3A_175, %broadcast_in_dim3A_151 : vector<16xf32>
      %add3A_187 = arith.addf %broadcast_in_dim3A_151, %select_n3A_186 : vector<16xf32>
      %select_n3A_188 = arith.select %lt3A_17, %gather3A_179, %broadcast_in_dim3A_151 : vector<16xf32>
      %add3A_189 = arith.addf %broadcast_in_dim3A_151, %select_n3A_188 : vector<16xf32>
      %select_n3A_190 = arith.select %lt3A_17, %gather3A_183, %broadcast_in_dim3A_151 : vector<16xf32>
      %add3A_191 = arith.addf %broadcast_in_dim3A_151, %select_n3A_190 : vector<16xf32>
      %dma_wait3A_192 = arith.constant 1 : i32
      %dma_wait3A_193 = arith.constant 0 : i32
      %dma_wait3A_194 = arith.constant 0 : i32
      %dma_wait3A_195 = tpu.memref_slice %arg19[%dma_wait3A_192, %dma_wait3A_193, %dma_wait3A_194] : memref<4x64x128xf32, #tpu.memory_space<vmem>> -> memref<1x64x128xf32, #tpu.memory_space<vmem>>
      %dma_wait3A_196 = tpu.memref_squeeze %dma_wait3A_195 : memref<1x64x128xf32, #tpu.memory_space<vmem>> -> memref<64x128xf32, #tpu.memory_space<vmem>>
      %dma_wait3A_197 = arith.constant 0 : i32
      %dma_wait3A_198 = tpu.memref_slice %arg9[%dma_wait3A_197, %multiple_of3A_52] : memref<64x100000xf32, #tpu.memory_space<hbm>> -> memref<64x128xf32, #tpu.memory_space<hbm>>
      %dma_wait3A_199 = arith.constant 0 : i32
      %dma_wait3A_200 = arith.constant 0 : i32
      %dma_wait3A_201 = tpu.memref_slice %arg19[%dma_wait3A_192, %dma_wait3A_199, %dma_wait3A_200] : memref<4x64x128xf32, #tpu.memory_space<vmem>> -> memref<1x64x128xf32, #tpu.memory_space<vmem>>
      %dma_wait3A_202 = tpu.memref_squeeze %dma_wait3A_201 : memref<1x64x128xf32, #tpu.memory_space<vmem>> -> memref<64x128xf32, #tpu.memory_space<vmem>>
      %dma_wait3A_203 = arith.constant 0 : i32
      %dma_wait3A_204 = tpu.memref_slice %arg9[%dma_wait3A_203, %multiple_of3A_52] : memref<64x100000xf32, #tpu.memory_space<hbm>> -> memref<64x128xf32, #tpu.memory_space<hbm>>
      tpu.wait_dma2 semaphore(%arg27 : memref<!tpu.dma_semaphore, #tpu.memory_space<semaphore_mem>>) src(%dma_wait3A_204 : memref<64x128xf32, #tpu.memory_space<hbm>>) dst(%dma_wait3A_202 : memref<64x128xf32, #tpu.memory_space<vmem>>)
      %broadcast_in_dim3A_205 = arith.constant 1 : i32
      %broadcast_in_dim3A_206 = vector.broadcast %broadcast_in_dim3A_205 : i32 to vector<16xi32>
      %broadcast_in_dim3A_207 = vector.broadcast %and3A_54 : i32 to vector<16xi32>
      %add3A_208 = arith.constant 0 : i32
      %add3A_209 = vector.broadcast %add3A_208 : i32 to vector<16xi32>
      %add3A_210 = arith.addi %iota3A, %add3A_209 : vector<16xi32>
      %gather3A_211 = tpu.vector_load_idx %arg19[%broadcast_in_dim3A_206, %add3A_210, %broadcast_in_dim3A_207] : memref<4x64x128xf32, #tpu.memory_space<vmem>>[vector<16xi32>, vector<16xi32>, vector<16xi32>], vector<16xf32>,
      %add3A_212 = arith.constant 16 : i32
      %add3A_213 = vector.broadcast %add3A_212 : i32 to vector<16xi32>
      %add3A_214 = arith.addi %iota3A, %add3A_213 : vector<16xi32>
      %gather3A_215 = tpu.vector_load_idx %arg19[%broadcast_in_dim3A_206, %add3A_214, %broadcast_in_dim3A_207] : memref<4x64x128xf32, #tpu.memory_space<vmem>>[vector<16xi32>, vector<16xi32>, vector<16xi32>], vector<16xf32>,
      %add3A_216 = arith.constant 32 : i32
      %add3A_217 = vector.broadcast %add3A_216 : i32 to vector<16xi32>
      %add3A_218 = arith.addi %iota3A, %add3A_217 : vector<16xi32>
      %gather3A_219 = tpu.vector_load_idx %arg19[%broadcast_in_dim3A_206, %add3A_218, %broadcast_in_dim3A_207] : memref<4x64x128xf32, #tpu.memory_space<vmem>>[vector<16xi32>, vector<16xi32>, vector<16xi32>], vector<16xf32>,
      %add3A_220 = arith.constant 48 : i32
      %add3A_221 = vector.broadcast %add3A_220 : i32 to vector<16xi32>
      %add3A_222 = arith.addi %iota3A, %add3A_221 : vector<16xi32>
      %gather3A_223 = tpu.vector_load_idx %arg19[%broadcast_in_dim3A_206, %add3A_222, %broadcast_in_dim3A_207] : memref<4x64x128xf32, #tpu.memory_space<vmem>>[vector<16xi32>, vector<16xi32>, vector<16xi32>], vector<16xf32>,
      %select_n3A_224 = arith.select %lt3A_39, %gather3A_211, %broadcast_in_dim3A_151 : vector<16xf32>
      %add3A_225 = arith.addf %add3A_185, %select_n3A_224 : vector<16xf32>
      %select_n3A_226 = arith.select %lt3A_39, %gather3A_215, %broadcast_in_dim3A_151 : vector<16xf32>
      %add3A_227 = arith.addf %add3A_187, %select_n3A_226 : vector<16xf32>
      %select_n3A_228 = arith.select %lt3A_39, %gather3A_219, %broadcast_in_dim3A_151 : vector<16xf32>
      %add3A_229 = arith.addf %add3A_189, %select_n3A_228 : vector<16xf32>
      %select_n3A_230 = arith.select %lt3A_39, %gather3A_223, %broadcast_in_dim3A_151 : vector<16xf32>
      %add3A_231 = arith.addf %add3A_191, %select_n3A_230 : vector<16xf32>
      %dma_wait3A_232 = arith.constant 2 : i32
      %dma_wait3A_233 = arith.constant 0 : i32
      %dma_wait3A_234 = arith.constant 0 : i32
      %dma_wait3A_235 = tpu.memref_slice %arg19[%dma_wait3A_232, %dma_wait3A_233, %dma_wait3A_234] : memref<4x64x128xf32, #tpu.memory_space<vmem>> -> memref<1x64x128xf32, #tpu.memory_space<vmem>>
      %dma_wait3A_236 = tpu.memref_squeeze %dma_wait3A_235 : memref<1x64x128xf32, #tpu.memory_space<vmem>> -> memref<64x128xf32, #tpu.memory_space<vmem>>
      %dma_wait3A_237 = arith.constant 0 : i32
      %dma_wait3A_238 = tpu.memref_slice %arg9[%dma_wait3A_237, %multiple_of3A_84] : memref<64x100000xf32, #tpu.memory_space<hbm>> -> memref<64x128xf32, #tpu.memory_space<hbm>>
      %dma_wait3A_239 = arith.constant 0 : i32
      %dma_wait3A_240 = arith.constant 0 : i32
      %dma_wait3A_241 = tpu.memref_slice %arg19[%dma_wait3A_232, %dma_wait3A_239, %dma_wait3A_240] : memref<4x64x128xf32, #tpu.memory_space<vmem>> -> memref<1x64x128xf32, #tpu.memory_space<vmem>>
      %dma_wait3A_242 = tpu.memref_squeeze %dma_wait3A_241 : memref<1x64x128xf32, #tpu.memory_space<vmem>> -> memref<64x128xf32, #tpu.memory_space<vmem>>
      %dma_wait3A_243 = arith.constant 0 : i32
      %dma_wait3A_244 = tpu.memref_slice %arg9[%dma_wait3A_243, %multiple_of3A_84] : memref<64x100000xf32, #tpu.memory_space<hbm>> -> memref<64x128xf32, #tpu.memory_space<hbm>>
      tpu.wait_dma2 semaphore(%arg27 : memref<!tpu.dma_semaphore, #tpu.memory_space<semaphore_mem>>) src(%dma_wait3A_244 : memref<64x128xf32, #tpu.memory_space<hbm>>) dst(%dma_wait3A_242 : memref<64x128xf32, #tpu.memory_space<vmem>>)
      %broadcast_in_dim3A_245 = arith.constant 2 : i32
      %broadcast_in_dim3A_246 = vector.broadcast %broadcast_in_dim3A_245 : i32 to vector<16xi32>
      %broadcast_in_dim3A_247 = vector.broadcast %and3A_86 : i32 to vector<16xi32>
      %add3A_248 = arith.constant 0 : i32
      %add3A_249 = vector.broadcast %add3A_248 : i32 to vector<16xi32>
      %add3A_250 = arith.addi %iota3A, %add3A_249 : vector<16xi32>
      %gather3A_251 = tpu.vector_load_idx %arg19[%broadcast_in_dim3A_246, %add3A_250, %broadcast_in_dim3A_247] : memref<4x64x128xf32, #tpu.memory_space<vmem>>[vector<16xi32>, vector<16xi32>, vector<16xi32>], vector<16xf32>,
      %add3A_252 = arith.constant 16 : i32
      %add3A_253 = vector.broadcast %add3A_252 : i32 to vector<16xi32>
      %add3A_254 = arith.addi %iota3A, %add3A_253 : vector<16xi32>
      %gather3A_255 = tpu.vector_load_idx %arg19[%broadcast_in_dim3A_246, %add3A_254, %broadcast_in_dim3A_247] : memref<4x64x128xf32, #tpu.memory_space<vmem>>[vector<16xi32>, vector<16xi32>, vector<16xi32>], vector<16xf32>,
      %add3A_256 = arith.constant 32 : i32
      %add3A_257 = vector.broadcast %add3A_256 : i32 to vector<16xi32>
      %add3A_258 = arith.addi %iota3A, %add3A_257 : vector<16xi32>
      %gather3A_259 = tpu.vector_load_idx %arg19[%broadcast_in_dim3A_246, %add3A_258, %broadcast_in_dim3A_247] : memref<4x64x128xf32, #tpu.memory_space<vmem>>[vector<16xi32>, vector<16xi32>, vector<16xi32>], vector<16xf32>,
      %add3A_260 = arith.constant 48 : i32
      %add3A_261 = vector.broadcast %add3A_260 : i32 to vector<16xi32>
      %add3A_262 = arith.addi %iota3A, %add3A_261 : vector<16xi32>
      %gather3A_263 = tpu.vector_load_idx %arg19[%broadcast_in_dim3A_246, %add3A_262, %broadcast_in_dim3A_247] : memref<4x64x128xf32, #tpu.memory_space<vmem>>[vector<16xi32>, vector<16xi32>, vector<16xi32>], vector<16xf32>,
      %select_n3A_264 = arith.select %lt3A_71, %gather3A_251, %broadcast_in_dim3A_151 : vector<16xf32>
      %add3A_265 = arith.addf %add3A_225, %select_n3A_264 : vector<16xf32>
      %select_n3A_266 = arith.select %lt3A_71, %gather3A_255, %broadcast_in_dim3A_151 : vector<16xf32>
      %add3A_267 = arith.addf %add3A_227, %select_n3A_266 : vector<16xf32>
      %select_n3A_268 = arith.select %lt3A_71, %gather3A_259, %broadcast_in_dim3A_151 : vector<16xf32>
      %add3A_269 = arith.addf %add3A_229, %select_n3A_268 : vector<16xf32>
      %select_n3A_270 = arith.select %lt3A_71, %gather3A_263, %broadcast_in_dim3A_151 : vector<16xf32>
      %add3A_271 = arith.addf %add3A_231, %select_n3A_270 : vector<16xf32>
      %dma_wait3A_272 = arith.constant 3 : i32
      %dma_wait3A_273 = arith.constant 0 : i32
      %dma_wait3A_274 = arith.constant 0 : i32
      %dma_wait3A_275 = tpu.memref_slice %arg19[%dma_wait3A_272, %dma_wait3A_273, %dma_wait3A_274] : memref<4x64x128xf32, #tpu.memory_space<vmem>> -> memref<1x64x128xf32, #tpu.memory_space<vmem>>
      %dma_wait3A_276 = tpu.memref_squeeze %dma_wait3A_275 : memref<1x64x128xf32, #tpu.memory_space<vmem>> -> memref<64x128xf32, #tpu.memory_space<vmem>>
      %dma_wait3A_277 = arith.constant 0 : i32
      %dma_wait3A_278 = tpu.memref_slice %arg9[%dma_wait3A_277, %multiple_of3A_116] : memref<64x100000xf32, #tpu.memory_space<hbm>> -> memref<64x128xf32, #tpu.memory_space<hbm>>
      %dma_wait3A_279 = arith.constant 0 : i32
      %dma_wait3A_280 = arith.constant 0 : i32
      %dma_wait3A_281 = tpu.memref_slice %arg19[%dma_wait3A_272, %dma_wait3A_279, %dma_wait3A_280] : memref<4x64x128xf32, #tpu.memory_space<vmem>> -> memref<1x64x128xf32, #tpu.memory_space<vmem>>
      %dma_wait3A_282 = tpu.memref_squeeze %dma_wait3A_281 : memref<1x64x128xf32, #tpu.memory_space<vmem>> -> memref<64x128xf32, #tpu.memory_space<vmem>>
      %dma_wait3A_283 = arith.constant 0 : i32
      %dma_wait3A_284 = tpu.memref_slice %arg9[%dma_wait3A_283, %multiple_of3A_116] : memref<64x100000xf32, #tpu.memory_space<hbm>> -> memref<64x128xf32, #tpu.memory_space<hbm>>
      tpu.wait_dma2 semaphore(%arg27 : memref<!tpu.dma_semaphore, #tpu.memory_space<semaphore_mem>>) src(%dma_wait3A_284 : memref<64x128xf32, #tpu.memory_space<hbm>>) dst(%dma_wait3A_282 : memref<64x128xf32, #tpu.memory_space<vmem>>)
      %broadcast_in_dim3A_285 = arith.constant 3 : i32
      %broadcast_in_dim3A_286 = vector.broadcast %broadcast_in_dim3A_285 : i32 to vector<16xi32>
      %broadcast_in_dim3A_287 = vector.broadcast %and3A_118 : i32 to vector<16xi32>
      %add3A_288 = arith.constant 0 : i32
      %add3A_289 = vector.broadcast %add3A_288 : i32 to vector<16xi32>
      %add3A_290 = arith.addi %iota3A, %add3A_289 : vector<16xi32>
      %gather3A_291 = tpu.vector_load_idx %arg19[%broadcast_in_dim3A_286, %add3A_290, %broadcast_in_dim3A_287] : memref<4x64x128xf32, #tpu.memory_space<vmem>>[vector<16xi32>, vector<16xi32>, vector<16xi32>], vector<16xf32>,
      %add3A_292 = arith.constant 16 : i32
      %add3A_293 = vector.broadcast %add3A_292 : i32 to vector<16xi32>
      %add3A_294 = arith.addi %iota3A, %add3A_293 : vector<16xi32>
      %gather3A_295 = tpu.vector_load_idx %arg19[%broadcast_in_dim3A_286, %add3A_294, %broadcast_in_dim3A_287] : memref<4x64x128xf32, #tpu.memory_space<vmem>>[vector<16xi32>, vector<16xi32>, vector<16xi32>], vector<16xf32>,
      %add3A_296 = arith.constant 32 : i32
      %add3A_297 = vector.broadcast %add3A_296 : i32 to vector<16xi32>
      %add3A_298 = arith.addi %iota3A, %add3A_297 : vector<16xi32>
      %gather3A_299 = tpu.vector_load_idx %arg19[%broadcast_in_dim3A_286, %add3A_298, %broadcast_in_dim3A_287] : memref<4x64x128xf32, #tpu.memory_space<vmem>>[vector<16xi32>, vector<16xi32>, vector<16xi32>], vector<16xf32>,
      %add3A_300 = arith.constant 48 : i32
      %add3A_301 = vector.broadcast %add3A_300 : i32 to vector<16xi32>
      %add3A_302 = arith.addi %iota3A, %add3A_301 : vector<16xi32>
      %gather3A_303 = tpu.vector_load_idx %arg19[%broadcast_in_dim3A_286, %add3A_302, %broadcast_in_dim3A_287] : memref<4x64x128xf32, #tpu.memory_space<vmem>>[vector<16xi32>, vector<16xi32>, vector<16xi32>], vector<16xf32>,
      %select_n3A_304 = arith.select %lt3A_103, %gather3A_291, %broadcast_in_dim3A_151 : vector<16xf32>
      %add3A_305 = arith.addf %add3A_265, %select_n3A_304 : vector<16xf32>
      %select_n3A_306 = arith.select %lt3A_103, %gather3A_295, %broadcast_in_dim3A_151 : vector<16xf32>
      %add3A_307 = arith.addf %add3A_267, %select_n3A_306 : vector<16xf32>
      %select_n3A_308 = arith.select %lt3A_103, %gather3A_299, %broadcast_in_dim3A_151 : vector<16xf32>
      %add3A_309 = arith.addf %add3A_269, %select_n3A_308 : vector<16xf32>
      %select_n3A_310 = arith.select %lt3A_103, %gather3A_303, %broadcast_in_dim3A_151 : vector<16xf32>
      %add3A_311 = arith.addf %add3A_271, %select_n3A_310 : vector<16xf32>
      %swap3A = arith.constant 0 : index
      %swap3A_312 = tpu.vector_load %arg20[%swap3A] {strides = array<i32>} : memref<128xf32, #tpu.memory_space<vmem>>, vector<16xf32>,
      tpu.vector_store %arg20[%swap3A], %add3A_305 {strides = array<i32>} : memref<128xf32, #tpu.memory_space<vmem>>, vector<16xf32>,
      %swap3A_313 = arith.constant 16 : index
      %swap3A_314 = tpu.vector_load %arg20[%swap3A_313] {strides = array<i32>} : memref<128xf32, #tpu.memory_space<vmem>>, vector<16xf32>,
      tpu.vector_store %arg20[%swap3A_313], %add3A_307 {strides = array<i32>} : memref<128xf32, #tpu.memory_space<vmem>>, vector<16xf32>,
      %swap3A_315 = arith.constant 32 : index
      %swap3A_316 = tpu.vector_load %arg20[%swap3A_315] {strides = array<i32>} : memref<128xf32, #tpu.memory_space<vmem>>, vector<16xf32>,
      tpu.vector_store %arg20[%swap3A_315], %add3A_309 {strides = array<i32>} : memref<128xf32, #tpu.memory_space<vmem>>, vector<16xf32>,
      %swap3A_317 = arith.constant 48 : index
      %swap3A_318 = tpu.vector_load %arg20[%swap3A_317] {strides = array<i32>} : memref<128xf32, #tpu.memory_space<vmem>>, vector<16xf32>,
      tpu.vector_store %arg20[%swap3A_317], %add3A_311 {strides = array<i32>} : memref<128xf32, #tpu.memory_space<vmem>>, vector<16xf32>,
      %mul3A = arith.constant 64 : i32
      %mul3A_319 = arith.muli %arg1, %mul3A : i32
      %multiple_of3A_320 = tpu.assume_multiple %mul3A_319, 8 : i32
      "tpu.region"() ({
        %run_scoped3A = tpu.sem_alloc : memref<!tpu.dma_semaphore, #tpu.memory_space<semaphore_mem>>
        %dma_start3A_326 = arith.constant 0 : i32
        %dma_start3A_327 = tpu.memref_slice %arg20[%dma_start3A_326] : memref<128xf32, #tpu.memory_space<vmem>> -> memref<64xf32, #tpu.memory_space<vmem>>
        %dma_start3A_328 = tpu.memref_slice %arg11[%multiple_of3A_320] : memref<1216xf32, #tpu.memory_space<hbm>> -> memref<64xf32, #tpu.memory_space<hbm>>
        %dma_start3A_329 = tpu.memref_slice %arg11[%multiple_of3A_320] : memref<1216xf32, #tpu.memory_space<hbm>> -> memref<64xf32, #tpu.memory_space<hbm>>
        %dma_start3A_330 = arith.constant 0 : i32
        %dma_start3A_331 = tpu.memref_slice %arg20[%dma_start3A_330] : memref<128xf32, #tpu.memory_space<vmem>> -> memref<64xf32, #tpu.memory_space<vmem>>
        tpu.enqueue_dma source(%dma_start3A_331 : memref<64xf32, #tpu.memory_space<vmem>>) target(%dma_start3A_329 : memref<64xf32, #tpu.memory_space<hbm>>) target_semaphore(%run_scoped3A : memref<!tpu.dma_semaphore, #tpu.memory_space<semaphore_mem>>)
        %dma_wait3A_332 = arith.constant 0 : i32
        %dma_wait3A_333 = tpu.memref_slice %arg20[%dma_wait3A_332] : memref<128xf32, #tpu.memory_space<vmem>> -> memref<64xf32, #tpu.memory_space<vmem>>
        %dma_wait3A_334 = tpu.memref_slice %arg11[%multiple_of3A_320] : memref<1216xf32, #tpu.memory_space<hbm>> -> memref<64xf32, #tpu.memory_space<hbm>>
        %dma_wait3A_335 = tpu.memref_slice %arg11[%multiple_of3A_320] : memref<1216xf32, #tpu.memory_space<hbm>> -> memref<64xf32, #tpu.memory_space<hbm>>
        %dma_wait3A_336 = arith.constant 0 : i32
        %dma_wait3A_337 = tpu.memref_slice %arg20[%dma_wait3A_336] : memref<128xf32, #tpu.memory_space<vmem>> -> memref<64xf32, #tpu.memory_space<vmem>>
        tpu.wait_dma2 semaphore(%run_scoped3A : memref<!tpu.dma_semaphore, #tpu.memory_space<semaphore_mem>>) src(%dma_wait3A_337 : memref<64xf32, #tpu.memory_space<vmem>>) dst(%dma_wait3A_335 : memref<64xf32, #tpu.memory_space<hbm>>)
        tpu.yield
      }) : () -> ()
      %barrier3A = arith.constant 0 : index
      tpu.barrier barrier_id(%barrier3A)
      %eq3A_321 = arith.constant 0 : i32
      %eq3A_322 = arith.cmpi eq, %arg1, %eq3A_321 : i32
      %convert_element_type3A_323 = arith.extui %eq3A_322 : i1 to i32
      %cond3A_324 = arith.constant 0 : i32
      %cond3A_325 = arith.cmpi ne, %convert_element_type3A_323, %cond3A_324 : i32
      scf.if %cond3A_325 {
        "tpu.region"() ({
          %run_scoped3A = tpu.sem_alloc : memref<!tpu.dma_semaphore, #tpu.memory_space<semaphore_mem>>
          tpu.enqueue_dma source(%arg11 : memref<1216xf32, #tpu.memory_space<hbm>>) target(%arg22 : memref<1216xf32, #tpu.memory_space<vmem>>) target_semaphore(%run_scoped3A : memref<!tpu.dma_semaphore, #tpu.memory_space<semaphore_mem>>)
          tpu.wait_dma2 semaphore(%run_scoped3A : memref<!tpu.dma_semaphore, #tpu.memory_space<semaphore_mem>>) src(%arg11 : memref<1216xf32, #tpu.memory_space<hbm>>) dst(%arg22 : memref<1216xf32, #tpu.memory_space<vmem>>)
          tpu.yield
        }) : () -> ()
        %get3A = arith.constant 0 : index
        %get3A_326 = tpu.vector_load %arg22[%get3A] {strides = array<i32>} : memref<1216xf32, #tpu.memory_space<vmem>>, vector<16xf32>,
        %get3A_327 = arith.constant 64 : index
        %get3A_328 = tpu.vector_load %arg22[%get3A_327] {strides = array<i32>} : memref<1216xf32, #tpu.memory_space<vmem>>, vector<16xf32>,
        %add3A_329 = arith.addf %get3A_326, %get3A_328 : vector<16xf32>
        %get3A_330 = arith.constant 128 : index
        %get3A_331 = tpu.vector_load %arg22[%get3A_330] {strides = array<i32>} : memref<1216xf32, #tpu.memory_space<vmem>>, vector<16xf32>,
        %add3A_332 = arith.addf %add3A_329, %get3A_331 : vector<16xf32>
        %get3A_333 = arith.constant 192 : index
        %get3A_334 = tpu.vector_load %arg22[%get3A_333] {strides = array<i32>} : memref<1216xf32, #tpu.memory_space<vmem>>, vector<16xf32>,
        %add3A_335 = arith.addf %add3A_332, %get3A_334 : vector<16xf32>
        %get3A_336 = arith.constant 256 : index
        %get3A_337 = tpu.vector_load %arg22[%get3A_336] {strides = array<i32>} : memref<1216xf32, #tpu.memory_space<vmem>>, vector<16xf32>,
        %add3A_338 = arith.addf %add3A_335, %get3A_337 : vector<16xf32>
        %get3A_339 = arith.constant 320 : index
        %get3A_340 = tpu.vector_load %arg22[%get3A_339] {strides = array<i32>} : memref<1216xf32, #tpu.memory_space<vmem>>, vector<16xf32>,
        %add3A_341 = arith.addf %add3A_338, %get3A_340 : vector<16xf32>
        %get3A_342 = arith.constant 384 : index
        %get3A_343 = tpu.vector_load %arg22[%get3A_342] {strides = array<i32>} : memref<1216xf32, #tpu.memory_space<vmem>>, vector<16xf32>,
        %add3A_344 = arith.addf %add3A_341, %get3A_343 : vector<16xf32>
        %get3A_345 = arith.constant 448 : index
        %get3A_346 = tpu.vector_load %arg22[%get3A_345] {strides = array<i32>} : memref<1216xf32, #tpu.memory_space<vmem>>, vector<16xf32>,
        %add3A_347 = arith.addf %add3A_344, %get3A_346 : vector<16xf32>
        %get3A_348 = arith.constant 512 : index
        %get3A_349 = tpu.vector_load %arg22[%get3A_348] {strides = array<i32>} : memref<1216xf32, #tpu.memory_space<vmem>>, vector<16xf32>,
        %add3A_350 = arith.addf %add3A_347, %get3A_349 : vector<16xf32>
        %get3A_351 = arith.constant 576 : index
        %get3A_352 = tpu.vector_load %arg22[%get3A_351] {strides = array<i32>} : memref<1216xf32, #tpu.memory_space<vmem>>, vector<16xf32>,
        %add3A_353 = arith.addf %add3A_350, %get3A_352 : vector<16xf32>
        %get3A_354 = arith.constant 640 : index
        %get3A_355 = tpu.vector_load %arg22[%get3A_354] {strides = array<i32>} : memref<1216xf32, #tpu.memory_space<vmem>>, vector<16xf32>,
        %add3A_356 = arith.addf %add3A_353, %get3A_355 : vector<16xf32>
        %get3A_357 = arith.constant 704 : index
        %get3A_358 = tpu.vector_load %arg22[%get3A_357] {strides = array<i32>} : memref<1216xf32, #tpu.memory_space<vmem>>, vector<16xf32>,
        %add3A_359 = arith.addf %add3A_356, %get3A_358 : vector<16xf32>
        %get3A_360 = arith.constant 768 : index
        %get3A_361 = tpu.vector_load %arg22[%get3A_360] {strides = array<i32>} : memref<1216xf32, #tpu.memory_space<vmem>>, vector<16xf32>,
        %add3A_362 = arith.addf %add3A_359, %get3A_361 : vector<16xf32>
        %get3A_363 = arith.constant 832 : index
        %get3A_364 = tpu.vector_load %arg22[%get3A_363] {strides = array<i32>} : memref<1216xf32, #tpu.memory_space<vmem>>, vector<16xf32>,
        %add3A_365 = arith.addf %add3A_362, %get3A_364 : vector<16xf32>
        %get3A_366 = arith.constant 896 : index
        %get3A_367 = tpu.vector_load %arg22[%get3A_366] {strides = array<i32>} : memref<1216xf32, #tpu.memory_space<vmem>>, vector<16xf32>,
        %add3A_368 = arith.addf %add3A_365, %get3A_367 : vector<16xf32>
        %get3A_369 = arith.constant 960 : index
        %get3A_370 = tpu.vector_load %arg22[%get3A_369] {strides = array<i32>} : memref<1216xf32, #tpu.memory_space<vmem>>, vector<16xf32>,
        %add3A_371 = arith.addf %add3A_368, %get3A_370 : vector<16xf32>
        %get3A_372 = arith.constant 1024 : index
        %get3A_373 = tpu.vector_load %arg22[%get3A_372] {strides = array<i32>} : memref<1216xf32, #tpu.memory_space<vmem>>, vector<16xf32>,
        %get3A_374 = arith.constant 1088 : index
        %get3A_375 = tpu.vector_load %arg22[%get3A_374] {strides = array<i32>} : memref<1216xf32, #tpu.memory_space<vmem>>, vector<16xf32>,
        %mul3A_376 = arith.constant 0.141421363 : f32
        %mul3A_377 = vector.broadcast %mul3A_376 : f32 to vector<16xf32>
        %mul3A_378 = arith.mulf %mul3A_377, %add3A_371 : vector<16xf32>
        %add3A_379 = arith.addf %get3A_375, %mul3A_378 : vector<16xf32>
        %mul3A_380 = arith.mulf %get3A_373, %add3A_379 : vector<16xf32>
        %get3A_381 = arith.constant 16 : index
        %get3A_382 = tpu.vector_load %arg22[%get3A_381] {strides = array<i32>} : memref<1216xf32, #tpu.memory_space<vmem>>, vector<16xf32>,
        %get3A_383 = arith.constant 80 : index
        %get3A_384 = tpu.vector_load %arg22[%get3A_383] {strides = array<i32>} : memref<1216xf32, #tpu.memory_space<vmem>>, vector<16xf32>,
        %add3A_385 = arith.addf %get3A_382, %get3A_384 : vector<16xf32>
        %get3A_386 = arith.constant 144 : index
        %get3A_387 = tpu.vector_load %arg22[%get3A_386] {strides = array<i32>} : memref<1216xf32, #tpu.memory_space<vmem>>, vector<16xf32>,
        %add3A_388 = arith.addf %add3A_385, %get3A_387 : vector<16xf32>
        %get3A_389 = arith.constant 208 : index
        %get3A_390 = tpu.vector_load %arg22[%get3A_389] {strides = array<i32>} : memref<1216xf32, #tpu.memory_space<vmem>>, vector<16xf32>,
        %add3A_391 = arith.addf %add3A_388, %get3A_390 : vector<16xf32>
        %get3A_392 = arith.constant 272 : index
        %get3A_393 = tpu.vector_load %arg22[%get3A_392] {strides = array<i32>} : memref<1216xf32, #tpu.memory_space<vmem>>, vector<16xf32>,
        %add3A_394 = arith.addf %add3A_391, %get3A_393 : vector<16xf32>
        %get3A_395 = arith.constant 336 : index
        %get3A_396 = tpu.vector_load %arg22[%get3A_395] {strides = array<i32>} : memref<1216xf32, #tpu.memory_space<vmem>>, vector<16xf32>,
        %add3A_397 = arith.addf %add3A_394, %get3A_396 : vector<16xf32>
        %get3A_398 = arith.constant 400 : index
        %get3A_399 = tpu.vector_load %arg22[%get3A_398] {strides = array<i32>} : memref<1216xf32, #tpu.memory_space<vmem>>, vector<16xf32>,
        %add3A_400 = arith.addf %add3A_397, %get3A_399 : vector<16xf32>
        %get3A_401 = arith.constant 464 : index
        %get3A_402 = tpu.vector_load %arg22[%get3A_401] {strides = array<i32>} : memref<1216xf32, #tpu.memory_space<vmem>>, vector<16xf32>,
        %add3A_403 = arith.addf %add3A_400, %get3A_402 : vector<16xf32>
        %get3A_404 = arith.constant 528 : index
        %get3A_405 = tpu.vector_load %arg22[%get3A_404] {strides = array<i32>} : memref<1216xf32, #tpu.memory_space<vmem>>, vector<16xf32>,
        %add3A_406 = arith.addf %add3A_403, %get3A_405 : vector<16xf32>
        %get3A_407 = arith.constant 592 : index
        %get3A_408 = tpu.vector_load %arg22[%get3A_407] {strides = array<i32>} : memref<1216xf32, #tpu.memory_space<vmem>>, vector<16xf32>,
        %add3A_409 = arith.addf %add3A_406, %get3A_408 : vector<16xf32>
        %get3A_410 = arith.constant 656 : index
        %get3A_411 = tpu.vector_load %arg22[%get3A_410] {strides = array<i32>} : memref<1216xf32, #tpu.memory_space<vmem>>, vector<16xf32>,
        %add3A_412 = arith.addf %add3A_409, %get3A_411 : vector<16xf32>
        %get3A_413 = arith.constant 720 : index
        %get3A_414 = tpu.vector_load %arg22[%get3A_413] {strides = array<i32>} : memref<1216xf32, #tpu.memory_space<vmem>>, vector<16xf32>,
        %add3A_415 = arith.addf %add3A_412, %get3A_414 : vector<16xf32>
        %get3A_416 = arith.constant 784 : index
        %get3A_417 = tpu.vector_load %arg22[%get3A_416] {strides = array<i32>} : memref<1216xf32, #tpu.memory_space<vmem>>, vector<16xf32>,
        %add3A_418 = arith.addf %add3A_415, %get3A_417 : vector<16xf32>
        %get3A_419 = arith.constant 848 : index
        %get3A_420 = tpu.vector_load %arg22[%get3A_419] {strides = array<i32>} : memref<1216xf32, #tpu.memory_space<vmem>>, vector<16xf32>,
        %add3A_421 = arith.addf %add3A_418, %get3A_420 : vector<16xf32>
        %get3A_422 = arith.constant 912 : index
        %get3A_423 = tpu.vector_load %arg22[%get3A_422] {strides = array<i32>} : memref<1216xf32, #tpu.memory_space<vmem>>, vector<16xf32>,
        %add3A_424 = arith.addf %add3A_421, %get3A_423 : vector<16xf32>
        %get3A_425 = arith.constant 976 : index
        %get3A_426 = tpu.vector_load %arg22[%get3A_425] {strides = array<i32>} : memref<1216xf32, #tpu.memory_space<vmem>>, vector<16xf32>,
        %add3A_427 = arith.addf %add3A_424, %get3A_426 : vector<16xf32>
        %get3A_428 = arith.constant 1040 : index
        %get3A_429 = tpu.vector_load %arg22[%get3A_428] {strides = array<i32>} : memref<1216xf32, #tpu.memory_space<vmem>>, vector<16xf32>,
        %get3A_430 = arith.constant 1104 : index
        %get3A_431 = tpu.vector_load %arg22[%get3A_430] {strides = array<i32>} : memref<1216xf32, #tpu.memory_space<vmem>>, vector<16xf32>,
        %mul3A_432 = arith.constant 0.141421363 : f32
        %mul3A_433 = vector.broadcast %mul3A_432 : f32 to vector<16xf32>
        %mul3A_434 = arith.mulf %mul3A_433, %add3A_427 : vector<16xf32>
        %add3A_435 = arith.addf %get3A_431, %mul3A_434 : vector<16xf32>
        %mul3A_436 = arith.mulf %get3A_429, %add3A_435 : vector<16xf32>
        %add3A_437 = arith.addf %mul3A_380, %mul3A_436 : vector<16xf32>
        %get3A_438 = arith.constant 32 : index
        %get3A_439 = tpu.vector_load %arg22[%get3A_438] {strides = array<i32>} : memref<1216xf32, #tpu.memory_space<vmem>>, vector<16xf32>,
        %get3A_440 = arith.constant 96 : index
        %get3A_441 = tpu.vector_load %arg22[%get3A_440] {strides = array<i32>} : memref<1216xf32, #tpu.memory_space<vmem>>, vector<16xf32>,
        %add3A_442 = arith.addf %get3A_439, %get3A_441 : vector<16xf32>
        %get3A_443 = arith.constant 160 : index
        %get3A_444 = tpu.vector_load %arg22[%get3A_443] {strides = array<i32>} : memref<1216xf32, #tpu.memory_space<vmem>>, vector<16xf32>,
        %add3A_445 = arith.addf %add3A_442, %get3A_444 : vector<16xf32>
        %get3A_446 = arith.constant 224 : index
        %get3A_447 = tpu.vector_load %arg22[%get3A_446] {strides = array<i32>} : memref<1216xf32, #tpu.memory_space<vmem>>, vector<16xf32>,
        %add3A_448 = arith.addf %add3A_445, %get3A_447 : vector<16xf32>
        %get3A_449 = arith.constant 288 : index
        %get3A_450 = tpu.vector_load %arg22[%get3A_449] {strides = array<i32>} : memref<1216xf32, #tpu.memory_space<vmem>>, vector<16xf32>,
        %add3A_451 = arith.addf %add3A_448, %get3A_450 : vector<16xf32>
        %get3A_452 = arith.constant 352 : index
        %get3A_453 = tpu.vector_load %arg22[%get3A_452] {strides = array<i32>} : memref<1216xf32, #tpu.memory_space<vmem>>, vector<16xf32>,
        %add3A_454 = arith.addf %add3A_451, %get3A_453 : vector<16xf32>
        %get3A_455 = arith.constant 416 : index
        %get3A_456 = tpu.vector_load %arg22[%get3A_455] {strides = array<i32>} : memref<1216xf32, #tpu.memory_space<vmem>>, vector<16xf32>,
        %add3A_457 = arith.addf %add3A_454, %get3A_456 : vector<16xf32>
        %get3A_458 = arith.constant 480 : index
        %get3A_459 = tpu.vector_load %arg22[%get3A_458] {strides = array<i32>} : memref<1216xf32, #tpu.memory_space<vmem>>, vector<16xf32>,
        %add3A_460 = arith.addf %add3A_457, %get3A_459 : vector<16xf32>
        %get3A_461 = arith.constant 544 : index
        %get3A_462 = tpu.vector_load %arg22[%get3A_461] {strides = array<i32>} : memref<1216xf32, #tpu.memory_space<vmem>>, vector<16xf32>,
        %add3A_463 = arith.addf %add3A_460, %get3A_462 : vector<16xf32>
        %get3A_464 = arith.constant 608 : index
        %get3A_465 = tpu.vector_load %arg22[%get3A_464] {strides = array<i32>} : memref<1216xf32, #tpu.memory_space<vmem>>, vector<16xf32>,
        %add3A_466 = arith.addf %add3A_463, %get3A_465 : vector<16xf32>
        %get3A_467 = arith.constant 672 : index
        %get3A_468 = tpu.vector_load %arg22[%get3A_467] {strides = array<i32>} : memref<1216xf32, #tpu.memory_space<vmem>>, vector<16xf32>,
        %add3A_469 = arith.addf %add3A_466, %get3A_468 : vector<16xf32>
        %get3A_470 = arith.constant 736 : index
        %get3A_471 = tpu.vector_load %arg22[%get3A_470] {strides = array<i32>} : memref<1216xf32, #tpu.memory_space<vmem>>, vector<16xf32>,
        %add3A_472 = arith.addf %add3A_469, %get3A_471 : vector<16xf32>
        %get3A_473 = arith.constant 800 : index
        %get3A_474 = tpu.vector_load %arg22[%get3A_473] {strides = array<i32>} : memref<1216xf32, #tpu.memory_space<vmem>>, vector<16xf32>,
        %add3A_475 = arith.addf %add3A_472, %get3A_474 : vector<16xf32>
        %get3A_476 = arith.constant 864 : index
        %get3A_477 = tpu.vector_load %arg22[%get3A_476] {strides = array<i32>} : memref<1216xf32, #tpu.memory_space<vmem>>, vector<16xf32>,
        %add3A_478 = arith.addf %add3A_475, %get3A_477 : vector<16xf32>
        %get3A_479 = arith.constant 928 : index
        %get3A_480 = tpu.vector_load %arg22[%get3A_479] {strides = array<i32>} : memref<1216xf32, #tpu.memory_space<vmem>>, vector<16xf32>,
        %add3A_481 = arith.addf %add3A_478, %get3A_480 : vector<16xf32>
        %get3A_482 = arith.constant 992 : index
        %get3A_483 = tpu.vector_load %arg22[%get3A_482] {strides = array<i32>} : memref<1216xf32, #tpu.memory_space<vmem>>, vector<16xf32>,
        %add3A_484 = arith.addf %add3A_481, %get3A_483 : vector<16xf32>
        %get3A_485 = arith.constant 1056 : index
        %get3A_486 = tpu.vector_load %arg22[%get3A_485] {strides = array<i32>} : memref<1216xf32, #tpu.memory_space<vmem>>, vector<16xf32>,
        %get3A_487 = arith.constant 1120 : index
        %get3A_488 = tpu.vector_load %arg22[%get3A_487] {strides = array<i32>} : memref<1216xf32, #tpu.memory_space<vmem>>, vector<16xf32>,
        %mul3A_489 = arith.constant 0.141421363 : f32
        %mul3A_490 = vector.broadcast %mul3A_489 : f32 to vector<16xf32>
        %mul3A_491 = arith.mulf %mul3A_490, %add3A_484 : vector<16xf32>
        %add3A_492 = arith.addf %get3A_488, %mul3A_491 : vector<16xf32>
        %mul3A_493 = arith.mulf %get3A_486, %add3A_492 : vector<16xf32>
        %add3A_494 = arith.addf %add3A_437, %mul3A_493 : vector<16xf32>
        %get3A_495 = arith.constant 48 : index
        %get3A_496 = tpu.vector_load %arg22[%get3A_495] {strides = array<i32>} : memref<1216xf32, #tpu.memory_space<vmem>>, vector<16xf32>,
        %get3A_497 = arith.constant 112 : index
        %get3A_498 = tpu.vector_load %arg22[%get3A_497] {strides = array<i32>} : memref<1216xf32, #tpu.memory_space<vmem>>, vector<16xf32>,
        %add3A_499 = arith.addf %get3A_496, %get3A_498 : vector<16xf32>
        %get3A_500 = arith.constant 176 : index
        %get3A_501 = tpu.vector_load %arg22[%get3A_500] {strides = array<i32>} : memref<1216xf32, #tpu.memory_space<vmem>>, vector<16xf32>,
        %add3A_502 = arith.addf %add3A_499, %get3A_501 : vector<16xf32>
        %get3A_503 = arith.constant 240 : index
        %get3A_504 = tpu.vector_load %arg22[%get3A_503] {strides = array<i32>} : memref<1216xf32, #tpu.memory_space<vmem>>, vector<16xf32>,
        %add3A_505 = arith.addf %add3A_502, %get3A_504 : vector<16xf32>
        %get3A_506 = arith.constant 304 : index
        %get3A_507 = tpu.vector_load %arg22[%get3A_506] {strides = array<i32>} : memref<1216xf32, #tpu.memory_space<vmem>>, vector<16xf32>,
        %add3A_508 = arith.addf %add3A_505, %get3A_507 : vector<16xf32>
        %get3A_509 = arith.constant 368 : index
        %get3A_510 = tpu.vector_load %arg22[%get3A_509] {strides = array<i32>} : memref<1216xf32, #tpu.memory_space<vmem>>, vector<16xf32>,
        %add3A_511 = arith.addf %add3A_508, %get3A_510 : vector<16xf32>
        %get3A_512 = arith.constant 432 : index
        %get3A_513 = tpu.vector_load %arg22[%get3A_512] {strides = array<i32>} : memref<1216xf32, #tpu.memory_space<vmem>>, vector<16xf32>,
        %add3A_514 = arith.addf %add3A_511, %get3A_513 : vector<16xf32>
        %get3A_515 = arith.constant 496 : index
        %get3A_516 = tpu.vector_load %arg22[%get3A_515] {strides = array<i32>} : memref<1216xf32, #tpu.memory_space<vmem>>, vector<16xf32>,
        %add3A_517 = arith.addf %add3A_514, %get3A_516 : vector<16xf32>
        %get3A_518 = arith.constant 560 : index
        %get3A_519 = tpu.vector_load %arg22[%get3A_518] {strides = array<i32>} : memref<1216xf32, #tpu.memory_space<vmem>>, vector<16xf32>,
        %add3A_520 = arith.addf %add3A_517, %get3A_519 : vector<16xf32>
        %get3A_521 = arith.constant 624 : index
        %get3A_522 = tpu.vector_load %arg22[%get3A_521] {strides = array<i32>} : memref<1216xf32, #tpu.memory_space<vmem>>, vector<16xf32>,
        %add3A_523 = arith.addf %add3A_520, %get3A_522 : vector<16xf32>
        %get3A_524 = arith.constant 688 : index
        %get3A_525 = tpu.vector_load %arg22[%get3A_524] {strides = array<i32>} : memref<1216xf32, #tpu.memory_space<vmem>>, vector<16xf32>,
        %add3A_526 = arith.addf %add3A_523, %get3A_525 : vector<16xf32>
        %get3A_527 = arith.constant 752 : index
        %get3A_528 = tpu.vector_load %arg22[%get3A_527] {strides = array<i32>} : memref<1216xf32, #tpu.memory_space<vmem>>, vector<16xf32>,
        %add3A_529 = arith.addf %add3A_526, %get3A_528 : vector<16xf32>
        %get3A_530 = arith.constant 816 : index
        %get3A_531 = tpu.vector_load %arg22[%get3A_530] {strides = array<i32>} : memref<1216xf32, #tpu.memory_space<vmem>>, vector<16xf32>,
        %add3A_532 = arith.addf %add3A_529, %get3A_531 : vector<16xf32>
        %get3A_533 = arith.constant 880 : index
        %get3A_534 = tpu.vector_load %arg22[%get3A_533] {strides = array<i32>} : memref<1216xf32, #tpu.memory_space<vmem>>, vector<16xf32>,
        %add3A_535 = arith.addf %add3A_532, %get3A_534 : vector<16xf32>
        %get3A_536 = arith.constant 944 : index
        %get3A_537 = tpu.vector_load %arg22[%get3A_536] {strides = array<i32>} : memref<1216xf32, #tpu.memory_space<vmem>>, vector<16xf32>,
        %add3A_538 = arith.addf %add3A_535, %get3A_537 : vector<16xf32>
        %get3A_539 = arith.constant 1008 : index
        %get3A_540 = tpu.vector_load %arg22[%get3A_539] {strides = array<i32>} : memref<1216xf32, #tpu.memory_space<vmem>>, vector<16xf32>,
        %add3A_541 = arith.addf %add3A_538, %get3A_540 : vector<16xf32>
        %get3A_542 = arith.constant 1072 : index
        %get3A_543 = tpu.vector_load %arg22[%get3A_542] {strides = array<i32>} : memref<1216xf32, #tpu.memory_space<vmem>>, vector<16xf32>,
        %get3A_544 = arith.constant 1136 : index
        %get3A_545 = tpu.vector_load %arg22[%get3A_544] {strides = array<i32>} : memref<1216xf32, #tpu.memory_space<vmem>>, vector<16xf32>,
        %mul3A_546 = arith.constant 0.141421363 : f32
        %mul3A_547 = vector.broadcast %mul3A_546 : f32 to vector<16xf32>
        %mul3A_548 = arith.mulf %mul3A_547, %add3A_541 : vector<16xf32>
        %add3A_549 = arith.addf %get3A_545, %mul3A_548 : vector<16xf32>
        %mul3A_550 = arith.mulf %get3A_543, %add3A_549 : vector<16xf32>
        %add3A_551 = arith.addf %add3A_494, %mul3A_550 : vector<16xf32>
        %slice3A_552 = vector.extract_strided_slice %add3A_551 {offsets = [0], sizes = [1], strides = [1]} : vector<16xf32> to vector<1xf32>
        %squeeze3A_553 = vector.extract %slice3A_552[0] : f32 from vector<1xf32>
        %slice3A_554 = vector.extract_strided_slice %add3A_551 {offsets = [1], sizes = [1], strides = [1]} : vector<16xf32> to vector<1xf32>
        %squeeze3A_555 = vector.extract %slice3A_554[0] : f32 from vector<1xf32>
        %add3A_556 = arith.addf %squeeze3A_553, %squeeze3A_555 : f32
        %slice3A_557 = vector.extract_strided_slice %add3A_551 {offsets = [2], sizes = [1], strides = [1]} : vector<16xf32> to vector<1xf32>
        %squeeze3A_558 = vector.extract %slice3A_557[0] : f32 from vector<1xf32>
        %add3A_559 = arith.addf %add3A_556, %squeeze3A_558 : f32
        %slice3A_560 = vector.extract_strided_slice %add3A_551 {offsets = [3], sizes = [1], strides = [1]} : vector<16xf32> to vector<1xf32>
        %squeeze3A_561 = vector.extract %slice3A_560[0] : f32 from vector<1xf32>
        %add3A_562 = arith.addf %add3A_559, %squeeze3A_561 : f32
        %slice3A_563 = vector.extract_strided_slice %add3A_551 {offsets = [4], sizes = [1], strides = [1]} : vector<16xf32> to vector<1xf32>
        %squeeze3A_564 = vector.extract %slice3A_563[0] : f32 from vector<1xf32>
        %add3A_565 = arith.addf %add3A_562, %squeeze3A_564 : f32
        %slice3A_566 = vector.extract_strided_slice %add3A_551 {offsets = [5], sizes = [1], strides = [1]} : vector<16xf32> to vector<1xf32>
        %squeeze3A_567 = vector.extract %slice3A_566[0] : f32 from vector<1xf32>
        %add3A_568 = arith.addf %add3A_565, %squeeze3A_567 : f32
        %slice3A_569 = vector.extract_strided_slice %add3A_551 {offsets = [6], sizes = [1], strides = [1]} : vector<16xf32> to vector<1xf32>
        %squeeze3A_570 = vector.extract %slice3A_569[0] : f32 from vector<1xf32>
        %add3A_571 = arith.addf %add3A_568, %squeeze3A_570 : f32
        %slice3A_572 = vector.extract_strided_slice %add3A_551 {offsets = [7], sizes = [1], strides = [1]} : vector<16xf32> to vector<1xf32>
        %squeeze3A_573 = vector.extract %slice3A_572[0] : f32 from vector<1xf32>
        %add3A_574 = arith.addf %add3A_571, %squeeze3A_573 : f32
        %slice3A_575 = vector.extract_strided_slice %add3A_551 {offsets = [8], sizes = [1], strides = [1]} : vector<16xf32> to vector<1xf32>
        %squeeze3A_576 = vector.extract %slice3A_575[0] : f32 from vector<1xf32>
        %add3A_577 = arith.addf %add3A_574, %squeeze3A_576 : f32
        %slice3A_578 = vector.extract_strided_slice %add3A_551 {offsets = [9], sizes = [1], strides = [1]} : vector<16xf32> to vector<1xf32>
        %squeeze3A_579 = vector.extract %slice3A_578[0] : f32 from vector<1xf32>
        %add3A_580 = arith.addf %add3A_577, %squeeze3A_579 : f32
        %slice3A_581 = vector.extract_strided_slice %add3A_551 {offsets = [10], sizes = [1], strides = [1]} : vector<16xf32> to vector<1xf32>
        %squeeze3A_582 = vector.extract %slice3A_581[0] : f32 from vector<1xf32>
        %add3A_583 = arith.addf %add3A_580, %squeeze3A_582 : f32
        %slice3A_584 = vector.extract_strided_slice %add3A_551 {offsets = [11], sizes = [1], strides = [1]} : vector<16xf32> to vector<1xf32>
        %squeeze3A_585 = vector.extract %slice3A_584[0] : f32 from vector<1xf32>
        %add3A_586 = arith.addf %add3A_583, %squeeze3A_585 : f32
        %slice3A_587 = vector.extract_strided_slice %add3A_551 {offsets = [12], sizes = [1], strides = [1]} : vector<16xf32> to vector<1xf32>
        %squeeze3A_588 = vector.extract %slice3A_587[0] : f32 from vector<1xf32>
        %add3A_589 = arith.addf %add3A_586, %squeeze3A_588 : f32
        %slice3A_590 = vector.extract_strided_slice %add3A_551 {offsets = [13], sizes = [1], strides = [1]} : vector<16xf32> to vector<1xf32>
        %squeeze3A_591 = vector.extract %slice3A_590[0] : f32 from vector<1xf32>
        %add3A_592 = arith.addf %add3A_589, %squeeze3A_591 : f32
        %slice3A_593 = vector.extract_strided_slice %add3A_551 {offsets = [14], sizes = [1], strides = [1]} : vector<16xf32> to vector<1xf32>
        %squeeze3A_594 = vector.extract %slice3A_593[0] : f32 from vector<1xf32>
        %add3A_595 = arith.addf %add3A_592, %squeeze3A_594 : f32
        %slice3A_596 = vector.extract_strided_slice %add3A_551 {offsets = [15], sizes = [1], strides = [1]} : vector<16xf32> to vector<1xf32>
        %squeeze3A_597 = vector.extract %slice3A_596[0] : f32 from vector<1xf32>
        %add3A_598 = arith.addf %add3A_595, %squeeze3A_597 : f32
        %get3A_599 = arith.constant 1152 : index
        %get3A_600 = tpu.vector_load %arg22[%get3A_599] {strides = array<i32>} : memref<1216xf32, #tpu.memory_space<vmem>>, vector<16xf32>,
        %slice3A_601 = vector.extract_strided_slice %get3A_600 {offsets = [0], sizes = [1], strides = [1]} : vector<16xf32> to vector<1xf32>
        %squeeze3A_602 = vector.extract %slice3A_601[0] : f32 from vector<1xf32>
        %get3A_603 = arith.constant 1168 : index
        %get3A_604 = tpu.vector_load %arg22[%get3A_603] {strides = array<i32>} : memref<1216xf32, #tpu.memory_space<vmem>>, vector<16xf32>,
        %slice3A_605 = vector.extract_strided_slice %get3A_604 {offsets = [0], sizes = [1], strides = [1]} : vector<16xf32> to vector<1xf32>
        %squeeze3A_606 = vector.extract %slice3A_605[0] : f32 from vector<1xf32>
        %add3A_607 = arith.constant 3.500000e+00 : f32
        %add3A_608 = arith.addf %add3A_607, %squeeze3A_602 : f32
        %add3A_609 = arith.addf %add3A_608, %squeeze3A_606 : f32
        %add3A_610 = arith.addf %add3A_609, %add3A_598 : f32
        %broadcast_in_dim3A_611 = vector.broadcast %add3A_610 : f32 to vector<16xf32>
        %swap3A_612 = arith.constant 0 : index
        %swap3A_613 = tpu.vector_load %arg23[%swap3A_612] {strides = array<i32>} : memref<16xf32, #tpu.memory_space<vmem>>, vector<16xf32>,
        tpu.vector_store %arg23[%swap3A_612], %broadcast_in_dim3A_611 {strides = array<i32>} : memref<16xf32, #tpu.memory_space<vmem>>, vector<16xf32>,
        "tpu.region"() ({
          %run_scoped3A = tpu.sem_alloc : memref<!tpu.dma_semaphore, #tpu.memory_space<semaphore_mem>>
          %dma_start3A_614 = arith.constant 0 : i32
          %dma_start3A_615 = tpu.memref_slice %arg23[%dma_start3A_614] : memref<16xf32, #tpu.memory_space<vmem>> -> memref<1xf32, #tpu.memory_space<vmem>>
          %dma_start3A_616 = arith.constant 0 : i32
          %dma_start3A_617 = tpu.memref_slice %arg23[%dma_start3A_616] : memref<16xf32, #tpu.memory_space<vmem>> -> memref<1xf32, #tpu.memory_space<vmem>>
          tpu.enqueue_dma source(%dma_start3A_617 : memref<1xf32, #tpu.memory_space<vmem>>) target(%arg10 : memref<1xf32, #tpu.memory_space<hbm>>) target_semaphore(%run_scoped3A : memref<!tpu.dma_semaphore, #tpu.memory_space<semaphore_mem>>)
          %dma_wait3A_618 = arith.constant 0 : i32
          %dma_wait3A_619 = tpu.memref_slice %arg23[%dma_wait3A_618] : memref<16xf32, #tpu.memory_space<vmem>> -> memref<1xf32, #tpu.memory_space<vmem>>
          %dma_wait3A_620 = arith.constant 0 : i32
          %dma_wait3A_621 = tpu.memref_slice %arg23[%dma_wait3A_620] : memref<16xf32, #tpu.memory_space<vmem>> -> memref<1xf32, #tpu.memory_space<vmem>>
          tpu.wait_dma2 semaphore(%run_scoped3A : memref<!tpu.dma_semaphore, #tpu.memory_space<semaphore_mem>>) src(%dma_wait3A_621 : memref<1xf32, #tpu.memory_space<vmem>>) dst(%arg10 : memref<1xf32, #tpu.memory_space<hbm>>)
          tpu.yield
        }) : () -> ()
      } else {
      }
    } else {
    }
    return
  }
}

</mosaic_0001>

<sc_bundles>
// kernel: kernel.3.cloned.1.call-start
scs
__scs_entry_jumppad:
0x0: {  	(pc) =	sbr.rel $0x88, $3  }
0x1: {  	(tag) =	ssettag $0x0;
	lr =	simm.s32 $0x1  }
0x2: {  	[smem:$0x3F99] =	sst lr;
	_ =	strace $0xD0000000  }
0x3: {  	_ = 	snop  }
0x4: {  	_ = 	snop  }
0x5: {  	_ = 	snop  }
0x6: {  	_ = 	snop  }
0x7: {  	_ = 	snop  }
__scs_overlays_trampoline_lowered:
0x8: {  	[smem:$0x3FA8] =	sst s0  }
0x9: {  	[smem:$0x3FA9] =	sst s1  }
0xa: {  	[smem:$0x3FAA] =	sst s2  }
0xb: {  	[smem:$0x3FAB] =	sst s3  }
0xc: {  	[smem:$0x3FAC] =	sst s4  }
0xd: {  	[smem:$0x3FAD] =	sst s5  }
0xe: {  	[smem:$0x3FAE] =	sst s6  }
0xf: {  	[smem:$0x3FAF] =	sst s7  }
0x10: {  	[smem:$0x3FB0] =	sst s8  }
0x11: {  	[smem:$0x3FB1] =	sst s9;
	s0 =	simm.s32 @!p0 $0x0  }
0x12: {  	s1 =	sld [smem:$0x3F97];
	s0 =	simm.s32 @p0 $0x1  }
0x13: {  	[smem:$0x3FB2] =	sst s0;
	s0 =	simm.s32 @!p1 $0x0  }
0x14: {  	s2 =	sld [smem:$0x3F96];
	s0 =	simm.s32 @p1 $0x1  }
0x15: {  	[smem:$0x3FB3] =	sst s0;
	s0 =	simm.s32 @!p2 $0x0  }
0x16: {  	s3 =	sld [smem:$0x3FDB];
	s0 =	simm.s32 @p2 $0x1  }
0x17: {  	s4 =	simm.s32 $0x1BF5;
	[smem:$0x3FB5] =	sst s0  }
0x18: {  	s0 =	sld [smem:$0x3F98];
	_ =	swait.ge [sflag:s4], $0x0  }
0x19: {  	s7 =	sld [smem:$0x3F99]  }
0x1a: {  	s8 =	sadd.s32 $0xFFFFE003, lr  }
0x1b: {  	s9 =	sadd.s32 $0xFFFFFEF7, lr;
	s5 =	simm.s32 $0xFFFFFFFF;
	p2 =	slt.u32 s8, $0xFFFFF086  }
0x1c: {  	p1 =	slt.u32 s9, $0xF7A;
	s5 =	simm.s32 @!p2 $0x0  }
0x1d: {  	s5 =	simm.s32 @p1 $0x1;
	p0 =	seq.s32 s7, s2  }
0x1e: {  	s7 =	smul.u32 @!p0 $0xF7A, s2;
	p2 =	seq.s32 @!p0 s5, $0x0  }
0x1f: {  	s9 =	smul.u32 $0xF7A, s1;
	s8 =	simm.s32 @!p0 $0x1BF5;
	p2 =	por !p2, p0  }
0x20: {  	[sflag:s8] =	ssyncset.s32 @!p0 $0xFFFFF086;
	s6 =	sadd.s32 @!p0 s3, s7;
	s7 =	simm.s32 @!p0 $0x108  }
0x21: {  	s3 =	sadd.s32 s3, s9;
	s6 =	sadd.s32 @!p0 $0x88, s6;
	s7 =	simm.s32 @p2 $0x1082  }
0x22: {  	[simem:s7], [sflag:s8] =	dma.local @!p0 [hbm:s6], $0xF7A  }
0x23: {  	s9 =	sor.u32 $0xD0000000, s2;
	s6 =	simm.s32 $0x108;
	_ =	swait.ge @!p0 [sflag:s8], $0x0  }
0x24: {  	s3 =	sadd.s32 $0x88, s3;
	s6 =	simm.s32 @!p1 $0x1082;
	[sflag:s4] =	ssyncset.s32 $0xFFFFF086  }
0x25: {  	[simem:s6], [sflag:s4] =	dma.local [hbm:s3], $0xF7A  }
0x26: {  	[smem:$0x3F99] =	sst s1;
	(tag) =	ssettag s2;
	_ =	strace s9  }
0x27: {  	s1 =	sld [smem:$0x3FA9]  }
0x28: {  	s2 =	sld [smem:$0x3FAA]  }
0x29: {  	s4 =	sld [smem:$0x3FAC]  }
0x2a: {  	p0 =	seq.s32 s5, $0x0;
	s5 =	sld [smem:$0x3FAD]  }
0x2b: {  	s6 =	sld [smem:$0x3FAE]  }
0x2c: {  	s7 =	sld [smem:$0x3FAF]  }
0x2d: {  	s3 =	simm.s32 $0x108;
	s8 =	sld [smem:$0x3FB0]  }
0x2e: {  	s3 =	simm.s32 @!p0 $0x1082;
	s9 =	sld [smem:$0x3FB1]  }
0x2f: {  	lr =	sadd.s32 s0, s3;
	s0 =	sld [smem:$0x3FA8]  }
0x30: {  	s3 =	sld [smem:$0x3FAB]  }
0x31: {  	[smem:$0x3FB4] =	sst s10  }
0x32: {  	s10 =	sld [smem:$0x3FB2];
	_ =	sdelay $0x3  }
0x33: {  	p0 =	seq.s32 s10, $0x1;
	s10 =	sld [smem:$0x3FB4];
	_ =	sdelay $0x3  }
0x34: {  	[smem:$0x3FB4] =	sst s10  }
0x35: {  	s10 =	sld [smem:$0x3FB3];
	_ =	sdelay $0x3  }
0x36: {  	p1 =	seq.s32 s10, $0x1;
	s10 =	sld [smem:$0x3FB4];
	_ =	sdelay $0x3  }
0x37: {  	[smem:$0x3FB4] =	sst s10  }
0x38: {  	s10 =	sld [smem:$0x3FB5]  }
0x39: {  	_ = 	snop;
	(pc) =	sbr.ind lr, $3  }
0x3a: {  	_ = 	snop  }
0x3b: {  	_ = 	snop  }
0x3c: {  	p2 =	seq.s32 s10, $0x1;
	s10 =	sld [smem:$0x3FB4]  }
0x3d: {  	_ =	shalt  }
0x3e: {  	_ =	shalt  }
0x3f: {  	_ =	shalt  }
0x40: {  	_ =	shalt  }
0x41: {  	_ =	shalt  }
0x42: {  	_ =	shalt  }
0x43: {  	_ =	shalt  }
0x44: {  	_ =	shalt  }
0x45: {  	_ =	shalt  }
0x46: {  	_ =	shalt  }
0x47: {  	_ =	shalt  }
0x48: {  	_ =	shalt  }
0x49: {  	_ =	shalt  }
0x4a: {  	_ =	shalt  }
0x4b: {  	_ =	shalt  }
0x4c: {  	_ =	shalt  }
0x4d: {  	_ =	shalt  }
0x4e: {  	_ =	shalt  }
0x4f: {  	_ =	shalt  }
0x50: {  	_ =	shalt  }
0x51: {  	_ =	shalt  }
0x52: {  	_ =	shalt  }
0x53: {  	_ =	shalt  }
0x54: {  	_ =	shalt  }
0x55: {  	_ =	shalt  }
0x56: {  	_ =	shalt  }
0x57: {  	_ =	shalt  }
0x58: {  	_ =	shalt  }
0x59: {  	_ =	shalt  }
0x5a: {  	_ =	shalt  }
0x5b: {  	_ =	shalt  }
0x5c: {  	_ =	shalt  }
0x5d: {  	_ =	shalt  }
0x5e: {  	_ =	shalt  }
0x5f: {  	_ =	shalt  }
0x60: {  	_ =	shalt  }
0x61: {  	_ =	shalt  }
0x62: {  	_ =	shalt  }
0x63: {  	_ =	shalt  }
0x64: {  	_ =	shalt  }
0x65: {  	_ =	shalt  }
0x66: {  	_ =	shalt  }
0x67: {  	_ =	shalt  }
0x68: {  	_ =	shalt  }
0x69: {  	_ =	shalt  }
0x6a: {  	_ =	shalt  }
0x6b: {  	_ =	shalt  }
0x6c: {  	_ =	shalt  }
0x6d: {  	_ =	shalt  }
0x6e: {  	_ =	shalt  }
0x6f: {  	_ =	shalt  }
0x70: {  	_ =	shalt  }
0x71: {  	_ =	shalt  }
0x72: {  	_ =	shalt  }
0x73: {  	_ =	shalt  }
0x74: {  	_ =	shalt  }
0x75: {  	_ =	shalt  }
0x76: {  	_ =	shalt  }
0x77: {  	_ =	shalt  }
0x78: {  	_ =	shalt  }
0x79: {  	_ =	shalt  }
0x7a: {  	_ =	shalt  }
0x7b: {  	_ =	shalt  }
0x7c: {  	_ =	shalt  }
0x7d: {  	_ =	shalt  }
0x7e: {  	_ =	shalt  }
0x7f: {  	_ =	shalt  }
0x80: {  	_ =	shalt  }
0x81: {  	_ =	shalt  }
0x82: {  	_ =	shalt  }
0x83: {  	_ =	shalt  }
0x84: {  	_ =	shalt  }
0x85: {  	_ =	shalt  }
0x86: {  	_ =	shalt  }
0x87: {  	_ =	shalt  }
.Lfunc_end0:
.L_simem_size_0:
called_computation_lowered:
.L_overlay_start_0:
0x88: {  	s2 =	sld [smem:$0x3FD9]  }
0x89: {  	s3 =	sld [smem:$0x3FFE];
	_ =	sdelay $0x1  }
0x8a: {  	s1 =	srdreg.scid  }
0x8b: {  	s0 =	sand.u32 $0x1, s1  }
0x8c: {  	s17 =	sshll.u32 s0, $0xA;
	s2 =	sadd.s32 s3, s2  }
0x8d: {  	s2 =	sadd.s32 s2, s17  }
0x8e: {  	[smem:$0x3FC0] =	sst s2  }
0x8f: {  	_ = 	snop  }
0x90: {  	s2 =	sld [smem:$0x3FC9]  }
0x91: {  	s18 =	sld [smem:$0x3FC8]  }
0x92: {  	s4 =	sld [smem:$0x3FC7]  }
0x93: {  	s5 =	sld [smem:$0x3FC6]  }
0x94: {  	s6 =	sld [smem:$0x3FC5]  }
0x95: {  	s7 =	sld [smem:$0x3FC4]  }
0x96: {  	s8 =	sld [smem:$0x3FC3]  }
0x97: {  	s9 =	sld [smem:$0x3FC2]  }
0x98: {  	s10 =	sld [smem:$0x3FD0];
	(tm) =	ssettm $0x1  }
0x99: {  	s11 =	sld [smem:$0x3FFB];
	_ =	sdelay $0x3  }
0x9a: {  	_ =	strace s11  }
0x9b: {  	s11 =	sld [smem:$0x3FFC];
	_ =	sdelay $0x3  }
0x9c: {  	_ =	strace s11  }
0x9d: {  	s11 =	sld [smem:$0x3FFD];
	_ =	sdelay $0x3  }
0x9e: {  	_ =	strace s11  }
0x9f: {  	_ =	strace $0x8FFFFFFF  }
0xa0: {  	s19 =	sld [smem:$0x3FDB];
	_ =	sdelay $0x1  }
0xa1: {  	s12 =	simm.s32 $_scs_section_size  }
0xa2: {  	s13 =	simm.s32 $_size__tile_overlayer_lowered;
	s14 =	simm.s32 $_tile_overlayer_lowered  }
0xa3: {  	s22 =	simm.s32 $0x1BFF;
	s21 =	sshll.u32 s14, $0x1;
	s11 =	sadd.s32 s12, s19  }
0xa4: {  	s15 =	simm.s32 $0x0;
	s20 =	sshll.u32 s13, $0x1;
	s13 =	sadd.s32 s21, s11  }
0xa5: {  	[timem:s15], [sflag:s22] =	dma.local [hbm:s13], s20  }
0xa6: {  	_ =	swait.ge [sflag:s22], s20  }
0xa7: {  	s12 =	ssub.s32 $0x0, s20;
	[sflag:s22] =	ssyncset.done $0x0  }
0xa8: {  	[sflag:s22] =	ssyncadd.s32 s12;
	_ =	sdelay $0x1  }
0xa9: {  	s23 =	simm.s32 $0x1B8B  }
0xaa: {  	_ =	swait.ge [sflag:s23], $0x1  }
0xab: {  	[sflag:s23] =	ssyncset.done $0x0  }
0xac: {  	s25 =	simm.s32 $0x1B8E;
	s24 =	sld [smem:$0x3FFE];
	[sflag:s23] =	ssyncadd.s32 $0xFFFFFFFF  }
0xad: {  	s26 =	simm.s32 $execute0_lowered;
	[smem:$0x3FD2] =	sst s25  }
0xae: {  	s13 =	sshll.u32 s26, $0x1;
	_ =	strace $0x80000046;
	[dreg:$0x1] =	wrdreg $0xFFFFFFFF  }
0xaf: {  	s28 =	simm.s32 $_size_execute0_lowered;
	s11 =	sadd.s32 s11, s13;
	[dreg:$0x0] =	wrdreg $0x0  }
0xb0: {  	s13 =	sshll.u32 s28, $0x1;
	[dreg:$0x2] =	wrdreg s11  }
0xb1: {  	[dreg:$0x3] =	wrdreg s13  }
0xb2: {  	[dreg:$0x4] =	wrdreg $0xC0  }
0xb3: {  	_ =	task [dreg:s15], $0x5FFFF  }
0xb4: {  	[dreg:$0x1] =	wrdreg $0xFFFFFFFF  }
0xb5: {  	[dreg:$0x0] =	wrdreg $0x60  }
0xb6: {  	[dreg:$0x2] =	wrdreg s2  }
0xb7: {  	[dreg:$0x3] =	wrdreg s18  }
0xb8: {  	[dreg:$0x4] =	wrdreg s4  }
0xb9: {  	[dreg:$0x5] =	wrdreg s5  }
0xba: {  	[dreg:$0x6] =	wrdreg s6  }
0xbb: {  	[dreg:$0x7] =	wrdreg s7  }
0xbc: {  	[dreg:$0x8] =	wrdreg s8  }
0xbd: {  	[dreg:$0x9] =	wrdreg s9  }
0xbe: {  	[dreg:$0xa] =	wrdreg s10  }
0xbf: {  	[dreg:$0xb] =	wrdreg s24  }
0xc0: {  	[dreg:$0xc] =	wrdreg $0x9  }
0xc1: {  	_ =	task.clear_ibuf [dreg:s15], $0xDFFFF;
	_ =	strace $0x90000046  }
0xc2: {  	s29 =	simm.s32 $0x9;
	_ =	strace $0x80000048  }
0xc3: {  	_ =	swait.ge [sflag:s29], $0x1  }
0xc4: {  	[sflag:s29] =	ssyncadd.s32 $0xFFFFFFFF  }
0xc5: {  	_ =	strace $0x90000048  }
0xc6: {  	_ =	sfence  }
0xc7: {  	s30 =	sld [smem:$0x0];
	_ =	sdelay $0x2  }
0xc8: {  	s31 =	sshll.u32 s1, $0xD;
	s1 =	sshrl.u32 s1, $0x2  }
0xc9: {  	s3 =	sand.u32 $0x4000, s31;
	s1 =	sadd.s32 s1, s30  }
0xca: {  	s0 =	sor.u32 s3, s0;
	s1 =	sshll.u32 s1, $0x11  }
0xcb: {  	s0 =	sor.u32 s1, s0  }
0xcc: {  	s0 =	sadd.s32 $0x8F2B, s0  }
0xcd: {  	[sflag:s0] =	ssyncadd.remote.s32 $0x1  }
0xce: {  	_ =	sfence.sel $0xFFFF  }
0xcf: {  	[dreg:$0x0] =	wrdreg $0xFFFFFFFF;
	(pc) =	sbr.abs _section_cstart, $3  }
0xd0: {  	[dreg:$0x1] =	wrdreg $0xFFFFFFFF  }
0xd1: {  	_ =	task.clear_ibuf [dreg:s15], $0x2FFFF;
	_ =	strace $0x9FFFFFFF  }
0xd2: {  	(tm) =	ssettm $0x7FFFFFFF  }
0xd3: {  	_ =	shalt  }
tec
execute0_lowered:
.L_overlay_start_1:
0x0: {  	(tag) =	ssettag $0x1  }
0x1: {  	s6 =	rddreg [dreg:$0x0]  }
0x2: {  	s5 =	rddreg [dreg:$0x1]  }
0x3: {  	s4 =	rddreg [dreg:$0x2]  }
0x4: {  	s8 =	rddreg [dreg:$0x3]  }
0x5: {  	s10 =	rddreg [dreg:$0x4];
	s2 =	srdreg.scid  }
0x6: {  	s9 =	rddreg [dreg:$0x5];
	s2 =	sand.u32 $0x1, s2  }
0x7: {  	s11 =	rddreg [dreg:$0x6];
	p0 =	seq.s32 s2, $0x1  }
.Ltmp0:
0x8: {  	s3 =	rddreg [dreg:$0x7];
	(pc) =	sbr.rel @p0 .LBB2_8-.Ltmp0, $4  }
0x9: {  	s1 =	rddreg [dreg:$0x8]  }
0xa: {  	s14 =	rddreg [dreg:$0x9];
	s13 =	simm.s32 $0x0  }
0xb: {  	[smem:$0x7FF] =	sst s13  }
0xc: {  	s0 =	rddreg [dreg:$0xa];
	_ =	strace $0x80000047;
	s2 =	stileid.u32  }
0xd: {  	[tilespmem:s13], [sflag:$0x1] =	stream.linear.gather [hbm4b:s6+s13], $0x1, $0x38;
	[tilespmem:$0xC900] =	vst v63  }
0xe: {  	s17 =	simm.s32 $0x80  }
0xf: {  	[tilespmem:s17], [sflag:$0x2] =	stream.linear.gather [hbm4b:s5+s13], $0x1, $0x38;
	[tilespmem:$0xC900] =	vst v63  }
0x10: {  	s18 =	simm.s32 $0x100;
	v0 =	vmov s2;
	s19 =	simm.s32 $0x3  }
0x11: {  	[tilespmem:s18], [sflag:$0x3] =	stream.linear.gather [hbm4b:s4+s13], $0x32, $0x38;
	[tilespmem:$0xC900] =	vst v63  }
0x12: {  	_ =	swait.ge [sflag:s19], $0x32  }
0x13: {  	[sflag:s19] =	ssyncset.done $0x0  }
0x14: {  	[sflag:s19] =	ssyncadd.s32 $0xFFFFFFCE  }
0x15: {  	v0 =	vld.idx.msk [tilespmem:v0+s18+$0x0], $0xffff;
	_ =	sdelay $0x4  }
0x16: {  	(v2sf) =	vpush v0, $0x0;
	_ =	sdelay $0xc  }
0x17: {  	s20 =	sor.u32 $0x10, s2  }
0x18: {  	v61 =	vmov s20  }
0x19: {  	s6 =	spop (v2sf)  }
0x1a: {  	s15 =	simm.s32 $0x400;
	s21 =	sand.u32 $0xFFFFF80, s6  }
0x1b: {  	s16 =	simm.s32 $0xC3800;
	s7 =	simm.s32 $0x4280;
	s4 =	sadd.s32 s3, s21  }
0x1c: {  	[tilespmem:s7], [sflag:$0x4] =	stream.strided.gather [hbm4b:s4+s15], $0x2000, s16, s15, $0x38;
	[tilespmem:$0xC900] =	vst v63  }
0x1d: {  	v0 =	vld.idx.msk [tilespmem:v61+s18+$0x0], $0xffff;
	_ =	sdelay $0x4  }
0x1e: {  	(v2sf) =	vpush v0, $0x0;
	_ =	sdelay $0xc  }
0x1f: {  	s22 =	sor.u32 $0x20, s2  }
0x20: {  	v62 =	vmov s22  }
0x21: {  	s23 =	spop (v2sf)  }
0x22: {  	s24 =	sand.u32 $0xFFFFF80, s23  }
0x23: {  	s12 =	simm.s32 $0x6280;
	s4 =	sadd.s32 s3, s24  }
0x24: {  	[tilespmem:s12], [sflag:$0x4] =	stream.strided.gather [hbm4b:s4+s15], $0x2000, s16, s15, $0x38;
	[tilespmem:$0xC900] =	vst v63  }
0x25: {  	v0 =	vld.idx.msk [tilespmem:v62+s18+$0x0], $0xffff;
	_ =	sdelay $0x4  }
0x26: {  	(v2sf) =	vpush v0, $0x0;
	_ =	sdelay $0xb  }
0x27: {  	p0 =	slt.u32 s2, $0x2;
	s4 =	sor.u32 $0x30, s2  }
0x28: {  	s4 =	simm.s32 @!p0 $0x0  }
0x29: {  	v63 =	vmov s4  }
0x2a: {  	s19 =	spop (v2sf)  }
0x2b: {  	s25 =	sand.u32 $0xFFFFF80, s19  }
0x2c: {  	s26 =	simm.s32 $0x8280;
	s4 =	sadd.s32 s3, s25  }
0x2d: {  	[tilespmem:s26], [sflag:$0x4] =	stream.strided.gather [hbm4b:s4+s15], $0x2000, s16, s15, $0x38;
	[tilespmem:$0xC900] =	vst v63  }
0x2e: {  	v0 =	vld.idx.msk [tilespmem:v63+s18+$0x0], $0xffff;
	_ =	sdelay $0x4  }
0x2f: {  	(v2sf) =	vpush v0, $0x0;
	_ =	sdelay $0xe  }
0x30: {  	s20 =	spop (v2sf)  }
0x31: {  	s20 =	simm.s32 @!p0 $0x0  }
0x32: {  	s28 =	sand.u32 $0xFFFFF80, s20  }
0x33: {  	s30 =	simm.s32 $0xA280;
	s18 =	simm.s32 $0x1;
	s29 =	sadd.s32 s3, s28  }
0x34: {  	[tilespmem:s30], [sflag:$0x4] =	stream.strided.gather [hbm4b:s29+s15], $0x2000, s16, s15, $0x38;
	[tilespmem:$0xC900] =	vst v63  }
0x35: {  	p1 =	seq.s32 s2, $0x2;
	_ =	swait.ge [sflag:s18], $0x1  }
.Ltmp1:
0x36: {  	[sflag:s18] =	ssyncset.done $0x0;
	(pc) =	sbr.rel @p1 .LBB2_2-.Ltmp1, $4  }
0x37: {  	s31 =	sshll.u32 s2, $0x3;
	s17 =	simm.s32 $0x2;
	[sflag:s18] =	ssyncadd.s32 $0xFFFFFFFF  }
0x38: {  	s5 =	sadd.s32 $0x800, s14;
	s7 =	sand.u32 $0x7F, s23;
	_ =	swait.ge [sflag:s17], $0x1  }
0x39: {  	s12 =	sand.u32 $0x7F, s6;
	s6 =	sand.u32 $0x7F, s19;
	[sflag:s17] =	ssyncset.done $0x0  }
0x3a: {  	s4 =	sadd.s32 s5, s31;
	s3 =	sand.u32 $0x7F, s20;
	[sflag:s17] =	ssyncadd.s32 $0xFFFFFFFF  }
0x3b: {  	p1 =	sne.s32 s2, $0x3  }
.Ltmp2:
0x3c: {  	_ = 	snop;
	(pc) =	sbr.rel @p1 .LBB2_6-.Ltmp2, $1  }
0x3d: {  	_ =	sdelay $0x3  }
.Ltmp3:
0x3e: {  	(pc) =	sbr.rel .LBB2_5-.Ltmp3, $4  }
0x3f: {  	_ = 	snop  }
0x40: {  	s19 =	sadd.s32 $0x888, s14  }
0x41: {  	s14 =	sadd.s32 $0x892, s14;
	s20 =	simm.s32 $0x200;
	s21 =	simm.s32 $0x2280  }
0x42: {  	s13 =	simm.s32 $0x80;
	s9 =	smov.u32 s11;
	s8 =	smov.u32 s10  }
.LBB2_2:
0x43: {  	s14 =	sadd.s32 $0x90, s5  }
0x44: {  	s19 =	sadd.s32 $0x80, s5;
	s20 =	simm.s32 $0x180;
	s21 =	simm.s32 $0x280  }
.LBB2_5:
0x45: {  	v0 =	vld [tilespmem:s13+$0x0];
	_ =	sdelay $0x4  }
0x46: {  	(v2sf) =	vpush v0, $0x0;
	_ =	sdelay $0xe  }
0x47: {  	s10 =	spop (v2sf)  }
0x48: {  	s11 =	sand.u32 $0x1FFFFF80, s10  }
0x49: {  	s25 =	sshrl.u32 s10, $0x3;
	s9 =	sadd.s32 s9, s11  }
0x4a: {  	[tilespmem:s21], [sflag:$0x1] =	stream.strided.gather [hbm4b:s9+s15], $0x2000, s16, s15, $0x38;
	[tilespmem:$0xC900] =	vst v63  }
0x4b: {  	s9 =	sand.u32 $0x1FFFFFF0, s25  }
0x4c: {  	s26 =	simm.s32 $0x0;
	v63 =	vlaneseq.u32;
	s8 =	sadd.s32 s8, s9  }
0x4d: {  	v0 =	vmul.u32 $0x80, v63;
	[tilespmem:s20], [sflag:$0x2] =	stream.linear.gather [hbm4b:s8+s26], $0x80, $0x38;
	[tilespmem:$0xC900] =	vst v63  }
0x4e: {  	s28 =	sand.u32 $0x7F, s10;
	_ =	swait.ge [sflag:s18], $0x2000  }
0x4f: {  	v2 =	vor.u32 $0x800, v0;
	v1 =	vor.u32 s28, v0;
	[sflag:s18] =	ssyncset.done $0x0  }
0x50: {  	v3 =	vor.u32 $0x1000, v0;
	v2 =	vor.u32 s28, v2;
	[sflag:s18] =	ssyncadd.s32 $0xFFFFE000  }
0x51: {  	v3 =	vor.u32 s28, v3;
	v0 =	vor.u32 $0x1800, v0;
	_ =	swait.ge [sflag:s17], $0x80  }
0x52: {  	v0 =	vor.u32 s28, v0;
	[sflag:s17] =	ssyncset.done $0x0  }
0x53: {  	[sflag:s17] =	ssyncadd.s32 $0xFFFFFF80  }
0x54: {  	v1 =	vld.idx.msk [tilespmem:v1+s21+$0x0], $0xffff  }
0x55: {  	v2 =	vld.idx.msk [tilespmem:v2+s21+$0x0], $0xffff  }
0x56: {  	v3 =	vld.idx.msk [tilespmem:v3+s21+$0x0], $0xffff  }
0x57: {  	v0 =	vld.idx.msk [tilespmem:v0+s21+$0x0], $0xffff  }
0x58: {  	v4 =	vmov s28  }
0x59: {  	[tilespmem:$0xC2C0] =	vst v1  }
0x5a: {  	[tilespmem:$0xC2D0] =	vst v2  }
0x5b: {  	[tilespmem:$0xC2E0] =	vst v3  }
0x5c: {  	[tilespmem:$0xC2F0] =	vst v0  }
0x5d: {  	v0 =	vld.idx.msk [tilespmem:v4+s20+$0x0], $0xffff;
	_ =	sdelay $0x4  }
0x5e: {  	s29 =	simm.s32 $0xC2C0;
	s30 =	simm.s32 $0x5;
	[tilespmem:$0xC300] =	vst v0  }
0x5f: {  	[hbm4b:s19+s26] =	stream.linear.scatter [tilespmem:s29], [sflag:$0x5], $0x40, $0x38;
	[tilespmem:$0xC900] =	vst v63  }
0x60: {  	_ =	swait.ge [sflag:s30], $0x40  }
0x61: {  	[sflag:s30] =	ssyncset.done $0x0  }
0x62: {  	s31 =	simm.s32 $0xC300;
	[sflag:s30] =	ssyncadd.s32 $0xFFFFFFC0  }
0x63: {  	[hbm4b:s14+s26] =	stream.linear.scatter [tilespmem:s31], [sflag:$0x5], $0x10, $0x38;
	[tilespmem:$0xC900] =	vst v63  }
0x64: {  	_ =	swait.ge [sflag:s30], $0x10  }
0x65: {  	[sflag:s30] =	ssyncset.done $0x0  }
0x66: {  	[sflag:s30] =	ssyncadd.s32 $0xFFFFFFF0  }
.LBB2_6:
0x67: {  	v0 =	vlaneseq.u32  }
0x68: {  	v0 =	vmul.u32 $0x80, v0;
	_ =	sdelay $0x1  }
0x69: {  	v1 =	vor.u32 s12, v0;
	v2 =	vor.u32 $0x800, v0  }
0x6a: {  	s8 =	simm.s32 $0x4;
	v3 =	vor.u32 $0x1000, v0;
	v2 =	vor.u32 s12, v2  }
0x6b: {  	_ =	swait.ge [sflag:s8], $0x2000;
	v4 =	vor.u32 $0x1800, v0;
	v3 =	vor.u32 s12, v3  }
0x6c: {  	[sflag:s8] =	ssyncset.done $0x0;
	v4 =	vor.u32 s12, v4  }
0x6d: {  	s9 =	simm.s32 $0x4280;
	[sflag:s8] =	ssyncadd.s32 $0xFFFFE000  }
0x6e: {  	v5 =	vor.u32 $0x2000, v0;
	v1 =	vld.idx.msk [tilespmem:v1+s9+$0x0], $0xffff  }
0x6f: {  	v6 =	vor.u32 $0x2800, v0;
	v5 =	vor.u32 s7, v5;
	v2 =	vld.idx.msk [tilespmem:v2+s9+$0x0], $0xffff  }
0x70: {  	v7 =	vor.u32 $0x3000, v0;
	v6 =	vor.u32 s7, v6;
	v3 =	vld.idx.msk [tilespmem:v3+s9+$0x0], $0xffff  }
0x71: {  	v8 =	vor.u32 $0x3800, v0;
	v7 =	vor.u32 s7, v7;
	v4 =	vld.idx.msk [tilespmem:v4+s9+$0x0], $0xffff;
	_ =	swait.ge [sflag:s8], $0x2000  }
0x72: {  	v8 =	vor.u32 s7, v8;
	[sflag:s8] =	ssyncset.done $0x0  }
0x73: {  	[sflag:s8] =	ssyncadd.s32 $0xFFFFE000  }
0x74: {  	v9 =	vor.u32 $0x4000, v0;
	v5 =	vld.idx.msk [tilespmem:v5+s9+$0x0], $0xffff  }
0x75: {  	v10 =	vor.u32 $0x4800, v0;
	v9 =	vor.u32 s6, v9;
	v6 =	vld.idx.msk [tilespmem:v6+s9+$0x0], $0xffff  }
0x76: {  	v11 =	vor.u32 $0x5000, v0;
	v10 =	vor.u32 s6, v10;
	v7 =	vld.idx.msk [tilespmem:v7+s9+$0x0], $0xffff  }
0x77: {  	v12 =	vor.u32 $0x5800, v0;
	v11 =	vor.u32 s6, v11;
	v8 =	vld.idx.msk [tilespmem:v8+s9+$0x0], $0xffff;
	_ =	swait.ge [sflag:s8], $0x2000  }
0x78: {  	v12 =	vor.u32 s6, v12;
	[sflag:s8] =	ssyncset.done $0x0  }
0x79: {  	[sflag:s8] =	ssyncadd.s32 $0xFFFFE000  }
0x7a: {  	v13 =	vor.u32 $0x6000, v0;
	v9 =	vld.idx.msk [tilespmem:v9+s9+$0x0], $0xffff  }
0x7b: {  	v14 =	vor.u32 $0x6800, v0;
	v13 =	vor.u32 s3, v13;
	v10 =	vld.idx.msk [tilespmem:v10+s9+$0x0], $0xffff  }
0x7c: {  	v15 =	vor.u32 $0x7000, v0;
	v14 =	vor.u32 s3, v14;
	v11 =	vld.idx.msk [tilespmem:v11+s9+$0x0], $0xffff  }
0x7d: {  	v0 =	vor.u32 $0x7800, v0;
	v15 =	vor.u32 s3, v15;
	v12 =	vld.idx.msk [tilespmem:v12+s9+$0x0], $0xffff;
	_ =	swait.ge [sflag:s8], $0x2000  }
0x7e: {  	v0 =	vor.u32 s3, v0;
	[sflag:s8] =	ssyncset.done $0x0  }
0x7f: {  	[sflag:s8] =	ssyncadd.s32 $0xFFFFE000  }
0x80: {  	v1 =	vadd.f32 $0.0e+00, v1;
	v13 =	vld.idx.msk [tilespmem:v13+s9+$0x0], $0xffff  }
0x81: {  	v2 =	vadd.f32 $0.0e+00, v2;
	v14 =	vld.idx.msk [tilespmem:v14+s9+$0x0], $0xffff  }
0x82: {  	v3 =	vadd.f32 $0.0e+00, v3;
	v1 =	vadd.f32 v5, v1;
	v61 =	vld.idx.msk [tilespmem:v15+s9+$0x0], $0xffff  }
0x83: {  	v4 =	vadd.f32 $0.0e+00, v4;
	v2 =	vadd.f32 v6, v2;
	v0 =	vld.idx.msk [tilespmem:v0+s9+$0x0], $0xffff  }
0x84: {  	v3 =	vadd.f32 v7, v3;
	v1 =	vadd.f32 v9, v1  }
0x85: {  	v4 =	vadd.f32 v8, v4;
	v2 =	vadd.f32 v10, v2;
	v62 =	vpsel !p0, $0x0, v13  }
0x86: {  	v3 =	vadd.f32 v11, v3;
	v63 =	vpsel !p0, $0x0, v14;
	v1 =	vadd.f32 v62, v1  }
0x87: {  	v4 =	vadd.f32 v12, v4;
	v5 =	vpsel !p0, $0x0, v61;
	v2 =	vadd.f32 v63, v2  }
0x88: {  	v0 =	vpsel !p0, $0x0, v0;
	v3 =	vadd.f32 v5, v3;
	[tilespmem:$0xC280] =	vst v1  }
0x89: {  	v0 =	vadd.f32 v0, v4;
	[tilespmem:$0xC290] =	vst v2  }
0x8a: {  	[tilespmem:$0xC2A0] =	vst v3  }
0x8b: {  	s31 =	simm.s32 $0xC280;
	s3 =	simm.s32 $0x0;
	[tilespmem:$0xC2B0] =	vst v0  }
0x8c: {  	[hbm4b:s4+s3] =	stream.linear.scatter [tilespmem:s31], [sflag:$0x5], $0x40, $0x38;
	[tilespmem:$0xC900] =	vst v63  }
0x8d: {  	p0 =	sne.s32 s2, $0x0;
	s4 =	simm.s32 $0x5  }
.Ltmp4:
0x8e: {  	_ =	swait.ge [sflag:s4], $0x40;
	(pc) =	sbr.rel @p0 .LBB2_8-.Ltmp4, $3  }
0x8f: {  	[sflag:s4] =	ssyncset.done $0x0  }
0x90: {  	[sflag:s4] =	ssyncadd.s32 $0xFFFFFFC0  }
0x91: {  	[bflag:$0x0] =	sbarrier.arrive $0xFFFF;
	_ =	sdelay $0x1  }
0x92: {  	s6 =	simm.s32 $0xC380  }
0x93: {  	[tilespmem:s6], [sflag:$0x5] =	stream.linear.gather [hbm4b:s5+s3], $0x500, $0x38;
	[tilespmem:$0xC900] =	vst v63  }
0x94: {  	_ =	swait.ge [sflag:s4], $0x500  }
0x95: {  	[sflag:s4] =	ssyncset.done $0x0  }
0x96: {  	[sflag:s4] =	ssyncadd.s32 $0xFFFFFB00  }
0x97: {  	v0 =	vld [tilespmem:$0xC380]  }
0x98: {  	v1 =	vld [tilespmem:$0xC3C0]  }
0x99: {  	v2 =	vld [tilespmem:$0xC400]  }
0x9a: {  	v3 =	vld [tilespmem:$0xC440]  }
0x9b: {  	v4 =	vld [tilespmem:$0xC480]  }
0x9c: {  	v5 =	vld [tilespmem:$0xC4C0]  }
0x9d: {  	v6 =	vld [tilespmem:$0xC500]  }
0x9e: {  	v7 =	vld [tilespmem:$0xC540]  }
0x9f: {  	v8 =	vld [tilespmem:$0xC580]  }
0xa0: {  	v9 =	vld [tilespmem:$0xC5C0]  }
0xa1: {  	v10 =	vld [tilespmem:$0xC600]  }
0xa2: {  	v11 =	vld [tilespmem:$0xC640]  }
0xa3: {  	v12 =	vld [tilespmem:$0xC680]  }
0xa4: {  	v13 =	vld [tilespmem:$0xC6C0]  }
0xa5: {  	v14 =	vld [tilespmem:$0xC700]  }
0xa6: {  	v15 =	vld [tilespmem:$0xC740]  }
0xa7: {  	v16 =	vld [tilespmem:$0xC780]  }
0xa8: {  	v17 =	vld [tilespmem:$0xC7C0]  }
0xa9: {  	v18 =	vld [tilespmem:$0xC390]  }
0xaa: {  	v19 =	vld [tilespmem:$0xC3D0]  }
0xab: {  	v20 =	vld [tilespmem:$0xC410]  }
0xac: {  	v21 =	vld [tilespmem:$0xC450]  }
0xad: {  	v22 =	vld [tilespmem:$0xC490]  }
0xae: {  	v23 =	vld [tilespmem:$0xC4D0]  }
0xaf: {  	v24 =	vld [tilespmem:$0xC510]  }
0xb0: {  	v25 =	vld [tilespmem:$0xC550]  }
0xb1: {  	v26 =	vld [tilespmem:$0xC590]  }
0xb2: {  	v27 =	vld [tilespmem:$0xC5D0]  }
0xb3: {  	v28 =	vld [tilespmem:$0xC610]  }
0xb4: {  	v29 =	vld [tilespmem:$0xC650]  }
0xb5: {  	v30 =	vld [tilespmem:$0xC690]  }
0xb6: {  	v31 =	vld [tilespmem:$0xC6D0]  }
0xb7: {  	v32 =	vld [tilespmem:$0xC710]  }
0xb8: {  	v34 =	vld [tilespmem:$0xC3A0]  }
0xb9: {  	v35 =	vld [tilespmem:$0xC3E0]  }
0xba: {  	v36 =	vld [tilespmem:$0xC420]  }
0xbb: {  	v37 =	vld [tilespmem:$0xC3B0]  }
0xbc: {  	v56 =	vld [tilespmem:$0xC3F0]  }
0xbd: {  	v57 =	vld [tilespmem:$0xC460];
	v0 =	vadd.f32 v1, v0;
	v55 =	vadd.f32 v19, v18  }
0xbe: {  	v58 =	vld [tilespmem:$0xC430];
	v59 =	vadd.f32 v35, v34  }
0xbf: {  	v60 =	vld [tilespmem:$0xC4A0];
	v0 =	vadd.f32 v2, v0;
	v1 =	vadd.f32 v20, v55  }
0xc0: {  	v33 =	vld [tilespmem:$0xC750];
	v20 =	vadd.f32 v36, v59  }
0xc1: {  	v61 =	vld [tilespmem:$0xC470];
	v0 =	vadd.f32 v3, v0;
	v1 =	vadd.f32 v21, v1  }
0xc2: {  	v62 =	vld [tilespmem:$0xC4E0];
	v18 =	vadd.f32 v56, v37;
	v19 =	vadd.f32 v57, v20  }
0xc3: {  	v63 =	vld [tilespmem:$0xC4B0];
	v0 =	vadd.f32 v4, v0;
	v1 =	vadd.f32 v22, v1  }
0xc4: {  	v2 =	vadd.f32 v58, v18;
	v22 =	vld [tilespmem:$0xC520];
	v19 =	vadd.f32 v60, v19  }
0xc5: {  	v0 =	vadd.f32 v5, v0;
	v1 =	vadd.f32 v23, v1;
	v23 =	vld [tilespmem:$0xC4F0]  }
0xc6: {  	v34 =	vld [tilespmem:$0xC560];
	v2 =	vadd.f32 v61, v2  }
0xc7: {  	v35 =	vld [tilespmem:$0xC530];
	v19 =	vadd.f32 v62, v19;
	v0 =	vadd.f32 v6, v0  }
0xc8: {  	v36 =	vld [tilespmem:$0xC5A0];
	v2 =	vadd.f32 v63, v2;
	v1 =	vadd.f32 v24, v1  }
0xc9: {  	v37 =	vld [tilespmem:$0xC570];
	v18 =	vadd.f32 v22, v19;
	v0 =	vadd.f32 v7, v0  }
0xca: {  	v38 =	vld [tilespmem:$0xC5E0];
	v1 =	vadd.f32 v25, v1;
	v2 =	vadd.f32 v23, v2  }
0xcb: {  	v39 =	vld [tilespmem:$0xC5B0];
	v3 =	vadd.f32 v34, v18;
	v0 =	vadd.f32 v8, v0  }
0xcc: {  	v40 =	vld [tilespmem:$0xC620];
	v1 =	vadd.f32 v26, v1;
	v2 =	vadd.f32 v35, v2  }
0xcd: {  	v41 =	vld [tilespmem:$0xC5F0];
	v3 =	vadd.f32 v36, v3;
	v0 =	vadd.f32 v9, v0  }
0xce: {  	v42 =	vld [tilespmem:$0xC660];
	v1 =	vadd.f32 v27, v1;
	v2 =	vadd.f32 v37, v2  }
0xcf: {  	v43 =	vld [tilespmem:$0xC630];
	v3 =	vadd.f32 v38, v3;
	v0 =	vadd.f32 v10, v0  }
0xd0: {  	v44 =	vld [tilespmem:$0xC6A0];
	v1 =	vadd.f32 v28, v1;
	v2 =	vadd.f32 v39, v2  }
0xd1: {  	v45 =	vld [tilespmem:$0xC670];
	v3 =	vadd.f32 v40, v3;
	v0 =	vadd.f32 v11, v0  }
0xd2: {  	v46 =	vld [tilespmem:$0xC6E0];
	v1 =	vadd.f32 v29, v1;
	v2 =	vadd.f32 v41, v2  }
0xd3: {  	v47 =	vld [tilespmem:$0xC6B0];
	v3 =	vadd.f32 v42, v3;
	v0 =	vadd.f32 v12, v0  }
0xd4: {  	v48 =	vld [tilespmem:$0xC720];
	v1 =	vadd.f32 v30, v1;
	v2 =	vadd.f32 v43, v2  }
0xd5: {  	v49 =	vld [tilespmem:$0xC6F0];
	v3 =	vadd.f32 v44, v3;
	v0 =	vadd.f32 v13, v0  }
0xd6: {  	v50 =	vld [tilespmem:$0xC760];
	v1 =	vadd.f32 v31, v1;
	v2 =	vadd.f32 v45, v2  }
0xd7: {  	v51 =	vld [tilespmem:$0xC730];
	v3 =	vadd.f32 v46, v3;
	v0 =	vadd.f32 v14, v0  }
0xd8: {  	v52 =	vld [tilespmem:$0xC7D0];
	v1 =	vadd.f32 v32, v1;
	v2 =	vadd.f32 v47, v2  }
0xd9: {  	v53 =	vld [tilespmem:$0xC770];
	v3 =	vadd.f32 v48, v3;
	v0 =	vadd.f32 v15, v0  }
0xda: {  	v54 =	vld [tilespmem:$0xC790];
	v1 =	vadd.f32 v33, v1;
	v2 =	vadd.f32 v49, v2  }
0xdb: {  	v55 =	vld [tilespmem:$0xC7E0];
	v0 =	vmul.f32 $1.414213630e-01, v0  }
0xdc: {  	v56 =	vld [tilespmem:$0xC7A0];
	v3 =	vadd.f32 v50, v3;
	v1 =	vmul.f32 $1.414213630e-01, v1;
	v2 =	vadd.f32 v51, v2  }
0xdd: {  	v57 =	vld [tilespmem:$0xC7F0];
	v0 =	vadd.f32 v0, v17  }
0xde: {  	v3 =	vmul.f32 $1.414213630e-01, v3;
	v1 =	vadd.f32 v1, v52;
	v2 =	vadd.f32 v53, v2  }
0xdf: {  	v58 =	vld [tilespmem:$0xC7B0];
	v0 =	vmul.f32 v0, v16  }
0xe0: {  	v3 =	vadd.f32 v3, v55;
	v1 =	vmul.f32 v1, v54;
	v2 =	vmul.f32 $1.414213630e-01, v2;
	_ =	sdelay $0x1  }
0xe1: {  	v59 =	vmul.f32 v3, v56;
	v0 =	vadd.f32 v1, v0;
	v2 =	vadd.f32 v2, v57;
	_ =	sdelay $0x1  }
0xe2: {  	v0 =	vadd.f32 v59, v0;
	v60 =	vmul.f32 v2, v58;
	_ =	sdelay $0x1  }
0xe3: {  	v0 =	vadd.f32 v60, v0;
	_ =	sdelay $0x1  }
0xe4: {  	(v2sf) =	vpush v0, $0x0  }
0xe5: {  	(v2sf) =	vpush v0, $0x1;
	_ =	sdelay $0x1  }
0xe6: {  	(v2sf) =	vpush v0, $0x2;
	_ =	sdelay $0x1  }
0xe7: {  	(v2sf) =	vpush v0, $0x3;
	_ =	sdelay $0x1  }
0xe8: {  	(v2sf) =	vpush v0, $0x4;
	_ =	sdelay $0x1  }
0xe9: {  	(v2sf) =	vpush v0, $0x5;
	_ =	sdelay $0x1  }
0xea: {  	(v2sf) =	vpush v0, $0x6;
	_ =	sdelay $0x1  }
0xeb: {  	(v2sf) =	vpush v0, $0x7;
	_ =	sdelay $0x1  }
0xec: {  	s13 =	spop (v2sf);
	(v2sf) =	vpush v0, $0x8  }
0xed: {  	s14 =	spop (v2sf)  }
0xee: {  	(v2sf) =	vpush v0, $0x9;
	s5 =	sadd.f32 s14, s13  }
0xef: {  	s15 =	spop (v2sf)  }
0xf0: {  	(v2sf) =	vpush v0, $0xA;
	s5 =	sadd.f32 s5, s15  }
0xf1: {  	s16 =	spop (v2sf)  }
0xf2: {  	(v2sf) =	vpush v0, $0xB;
	s5 =	sadd.f32 s5, s16  }
0xf3: {  	s17 =	spop (v2sf)  }
0xf4: {  	v61 =	vld [tilespmem:$0xC800];
	(v2sf) =	vpush v0, $0xC;
	s5 =	sadd.f32 s5, s17  }
0xf5: {  	s18 =	spop (v2sf)  }
0xf6: {  	v62 =	vld [tilespmem:$0xC810];
	(v2sf) =	vpush v0, $0xD;
	s5 =	sadd.f32 s5, s18  }
0xf7: {  	s19 =	spop (v2sf);
	(v2sf) =	vpush v0, $0xE  }
0xf8: {  	(v2sf) =	vpush v0, $0xF;
	s5 =	sadd.f32 s5, s19  }
0xf9: {  	s20 =	spop (v2sf);
	(v2sf) =	vpush v61, $0x0  }
0xfa: {  	s5 =	sadd.f32 s5, s20  }
0xfb: {  	s21 =	spop (v2sf);
	(v2sf) =	vpush v62, $0x0  }
0xfc: {  	s5 =	sadd.f32 s5, s21  }
0xfd: {  	s22 =	spop (v2sf)  }
0xfe: {  	s5 =	sadd.f32 s5, s22  }
0xff: {  	s23 =	spop (v2sf)  }
0x100: {  	s5 =	sadd.f32 s5, s23  }
0x101: {  	s24 =	spop (v2sf)  }
0x102: {  	s5 =	sadd.f32 s5, s24  }
0x103: {  	s25 =	spop (v2sf)  }
0x104: {  	s5 =	sadd.f32 s5, s25  }
0x105: {  	s26 =	spop (v2sf)  }
0x106: {  	s7 =	spop (v2sf);
	s5 =	sadd.f32 s5, s26  }
0x107: {  	s28 =	spop (v2sf)  }
0x108: {  	s29 =	spop (v2sf);
	s5 =	sadd.f32 s5, s7  }
0x109: {  	s7 =	sadd.f32 $3.500000000e+00, s29  }
0x10a: {  	s5 =	sadd.f32 s5, s28;
	s30 =	spop (v2sf)  }
0x10b: {  	s6 =	sadd.f32 s30, s7;
	_ =	sdelay $0x1  }
0x10c: {  	s5 =	sadd.f32 s5, s6;
	_ =	sdelay $0x1  }
0x10d: {  	v63 =	vmov s5  }
0x10e: {  	s31 =	simm.s32 $0xC880;
	[tilespmem:$0xC880] =	vst v63  }
0x10f: {  	[hbm4b:s1+s3] =	stream.linear.scatter [tilespmem:s31], [sflag:$0x5], $0x1, $0x38;
	[tilespmem:$0xC900] =	vst v63  }
0x110: {  	_ =	swait.ge [sflag:s4], $0x1  }
0x111: {  	[sflag:s4] =	ssyncset.done $0x0  }
0x112: {  	[sflag:s4] =	ssyncadd.s32 $0xFFFFFFFF  }
.LBB2_8:
0x113: {  	_ =	sfence.sel $0x180000  }
0x114: {  	[bflag:$0x0] =	sbarrier.arrive $0xFFFF  }
0x115: {  	p0 =	sne.s32 s2, $0x0;
	_ =	strace $0x90000047  }
0x116: {  	s0 =	sadd.s32 @!p0 $0x100000, s0;
	[bflag:$0x2] =	sbarrier.arrive $0xFFFF  }
0x117: {  	[sflag:s0] =	ssyncadd.tile.s32 @!p0 $0x1;
	_ =	shalt  }
.Lfunc_end2:
_tile_overlayer_lowered:
.L_overlay_start_2:
0x118: {  	(tag) =	ssettag $0x2  }
0x119: {  	s0 =	rddreg [dreg:$0x0];
	s2 =	stileid.u32  }
0x11a: {  	s1 =	rddreg [dreg:$0x1];
	p0 =	sne.s32 s2, $0x0  }
0x11b: {  	s3 =	rddreg [dreg:$0x2];
	[bflag:$0x3] =	sbarrier.arrive $0xFFFF;
	s2 =	simm.s32 @!p0 $0x1C05  }
0x11c: {  	[timem:s3], [sflag:s2] =	dma.local @!p0 [hbm:s0], s1  }
0x11d: {  	s0 =	simm.s32 @!p0 $0x5  }
0x11e: {  	_ =	swait.ge @!p0 [sflag:s0], s1  }
0x11f: {  	s1 =	ssub.s32 @!p0 $0x0, s1;
	[sflag:s0] =	ssyncset.done @!p0 $0x0  }
0x120: {  	[sflag:s0] =	ssyncadd.s32 @!p0 s1  }
0x121: {  	[bflag:$0x3] =	sbarrier.arrive $0xFFFF  }
0x122: {  	_ =	shalt  }

</sc_bundles>
